<compile_context>
chip_gen: v7x
topology: tpu7x:2x2x1
jax: 0.10.2.dev20260603
libtpu: 0.0.44.dev20260713+nightly
codegen_flags: <defaults>
</compile_context>

<pallas_src>
import functools

import jax
import jax.numpy as jnp
from jax import lax
from jax.experimental import pallas as pl
from jax.experimental.pallas import tpu as pltpu
from jax.experimental.pallas import tpu_sc as plsc


def _rtne_bf16_bits(p):
    u = lax.bitcast_convert_type(p, jnp.uint32)
    r = u + jnp.uint32(0x7FFF) + ((u >> 16) & jnp.uint32(1))
    return r & jnp.uint32(0xFFFF0000)


def _proj_pack_body(x_ref, we_ref, wo_ref, be_ref, bo_ref, o_ref):
    pe = (
        jnp.dot(x_ref[...], we_ref[...], preferred_element_type=jnp.float32)
        + be_ref[0:1, :]
    )
    po = (
        jnp.dot(x_ref[...], wo_ref[...], preferred_element_type=jnp.float32)
        + bo_ref[0:1, :]
    )
    ue = _rtne_bf16_bits(pe)
    uo = _rtne_bf16_bits(po)
    o_ref[...] = lax.bitcast_convert_type((ue >> 16) | uo, jnp.int32)


def _project_pack(x, we, wo, be, bo):
    n, d = x.shape
    bn = 5000 if n % 5000 == 0 else n
    grid = n // bn
    return pl.pallas_call(
        _proj_pack_body,
        grid=(grid,),
        in_specs=[
            pl.BlockSpec((bn, d), lambda i: (i, 0)),
            pl.BlockSpec((d, 8), lambda i: (0, 0)),
            pl.BlockSpec((d, 8), lambda i: (0, 0)),
            pl.BlockSpec((8, 8), lambda i: (0, 0)),
            pl.BlockSpec((8, 8), lambda i: (0, 0)),
        ],
        out_specs=pl.BlockSpec((bn, 8), lambda i: (i, 0)),
        out_shape=jax.ShapeDtypeStruct((n, 8), jnp.int32),
    )(x, we, wo, be, bo)


@functools.cache
def _make_sc_kernel(n_nodes: int, n_edges: int):
    info = plsc.get_sparse_core_info()
    nc, ns, lanes = info.num_cores, info.num_subcores, info.num_lanes
    nw = nc * ns
    epw = n_edges // nw
    assert n_edges % nw == 0 and epw % lanes == 0 and epw % 8 == 0
    mesh = plsc.VectorSubcoreMesh(core_axis_name="c", subcore_axis_name="s")
    tab_words = n_nodes * 8

    @functools.partial(
        pl.kernel,
        out_type=jax.ShapeDtypeStruct((n_edges,), jnp.float32),
        mesh=mesh,
        scratch_types=[
            pltpu.VMEM((tab_words,), jnp.int32),
            pltpu.VMEM((epw,), jnp.int32),
            pltpu.VMEM((epw,), jnp.int32),
            pltpu.VMEM((epw,), jnp.float32),
            pltpu.VMEM((16,), jnp.int32),
            pltpu.VMEM_SHARED((tab_words,), jnp.int32),
            pltpu.SemaphoreType.DMA,
            pltpu.SemaphoreType.DMA,
            pltpu.SemaphoreType.DMA,
        ],
        compiler_params=pltpu.CompilerParams(needs_layout_passes=False),
    )
    def sc_edge_mlp(tp_hbm, ei_hbm, aux_hbm, out_hbm,
                    tab_v, col_v, row_v, out_v, aux_v, tab_sh,
                    sem1, sem2, sem3):
        sid = lax.axis_index("s")
        wid = sid * nc + lax.axis_index("c")
        base = wid * epw
        c1 = pltpu.async_copy(ei_hbm.at[pl.ds(n_edges + base, epw)], col_v, sem1)
        c2 = pltpu.async_copy(ei_hbm.at[pl.ds(base, epw)], row_v, sem2)
        c3 = pltpu.async_copy(aux_hbm, aux_v, sem3)
        with jax.named_scope("stage_tab"):
            @pl.when(sid == 0)
            def _copy_tab():
                pltpu.sync_copy(tp_hbm, tab_sh)
            plsc.subcore_barrier()
            pltpu.sync_copy(tab_sh, tab_v)
        c1.wait()
        c2.wait()
        c3.wait()
        auxiv = aux_v[...]
        neg_c = plsc.bitcast(auxiv, jnp.float32)[4]
        dk2 = [plsc.bitcast(jnp.zeros((lanes,), jnp.int32) + auxiv[k],
                            jnp.bfloat16) for k in range(4)]

        with jax.named_scope("mainloop"):
            _run_loop(col_v, row_v, out_v, tab_v, dk2, neg_c, epw, lanes)
        pltpu.sync_copy(out_v, out_hbm.at[pl.ds(base, epw)])

    return sc_edge_mlp


def _run_loop(col_v, row_v, out_v, tab_v, dk2, neg_c, epw, lanes):
        @plsc.parallel_loop(0, epw, step=lanes, unroll=2)
        def body(s):
            colv = col_v[pl.ds(s, lanes)]
            rowv = row_v[pl.ds(s, lanes)]
            cb = colv << 3
            rb = (rowv << 3) + 4
            a = [None] * 4
            for k in range(4):
                wc = plsc.load_gather(tab_v, [cb + k])
                wr = plsc.load_gather(tab_v, [rb + k])
                zs = (plsc.bitcast(wc, jnp.bfloat16)
                      + plsc.bitcast(wr, jnp.bfloat16))
                a[k] = jnp.exp(zs) + jnp.bfloat16(1.0)
            n1 = dk2[0] * a[1] + dk2[1] * a[0]
            n2 = dk2[2] * a[3] + dk2[3] * a[2]
            p01 = a[0] * a[1]
            p23 = a[2] * a[3]
            frac = (n1 * p23 + n2 * p01) / (p01 * p23)
            f_lo, f_hi = plsc.unpack(
                frac, format=plsc.PackFormat.INTERLEAVED,
                preferred_element_type=jnp.float32)
            neg = f_lo + f_hi + neg_c
            out_v[pl.ds(s, lanes)] = 1.0 / (1.0 + jnp.exp(neg))


def kernel(x, edge_index, W1, b1, W2, b2):
    n, d = x.shape
    n_edges = edge_index.shape[1]
    s2 = jnp.float32(2.0)
    we = s2 * jnp.concatenate([W1[:d, 0:4], W1[d:, 0:4]], axis=1)
    wo = s2 * jnp.concatenate([W1[:d, 4:8], W1[d:, 4:8]], axis=1)
    zeros4 = jnp.zeros((4,), jnp.float32)
    be = jnp.tile(jnp.concatenate([s2 * b1[0:4], zeros4])[None, :], (8, 1))
    bo = jnp.tile(jnp.concatenate([s2 * b1[4:8], zeros4])[None, :], (8, 1))
    packed = _project_pack(x, we, wo, be, bo).reshape(-1)
    w2v = W2[:, 0]
    dv = s2 * w2v
    pairs = jnp.stack([dv[:4], dv[4:]], axis=1)
    auxp = lax.bitcast_convert_type(pairs.astype(jnp.bfloat16), jnp.int32)
    negc_bits = lax.bitcast_convert_type(-(b2 + jnp.sum(w2v)), jnp.int32)
    aux = jnp.concatenate([auxp, negc_bits, jnp.zeros((11,), jnp.int32)])
    out = _make_sc_kernel(n, n_edges)(packed, edge_index.reshape(-1), aux)
    return out[:, None]

# --- scband reference (transcript-rebuilt; emitter-appended) ---
"""Pipeline reference for scband-edge-network-26182120636655 (READ-ONLY COPY).

The authoritative reference and input builder live on the scoring server;
editing this copy changes nothing except your own understanding.
"""

import jax, jax.numpy as jnp
import numpy as np


def setup_inputs(seed: int = 0) -> dict:
    key = jax.random.key(seed)
    ks = jax.random.split(key, 6)
    N, E, D, H = 10000, 320000, 128, 8
    x = jax.random.normal(ks[0], (N, D), dtype=jnp.float32)
    edge_index = jax.random.randint(ks[1], (2, E), 0, N, dtype=jnp.int32)
    # Learned parameters for edgec: Linear(2*D -> H), Tanh, Linear(H -> 1), Sigmoid
    W1 = jax.random.normal(ks[2], (2 * D, H), dtype=jnp.float32) * (1.0 / np.sqrt(2 * D))
    b1 = jnp.zeros((H,), dtype=jnp.float32)
    W2 = jax.random.normal(ks[3], (H, 1), dtype=jnp.float32) * (1.0 / np.sqrt(H))
    b2 = jnp.zeros((1,), dtype=jnp.float32)
    return {"x": x, "edge_index": edge_index, "W1": W1, "b1": b1, "W2": W2, "b2": b2}


def reference(x, edge_index, W1, b1, W2, b2):
    # row, col = data.edge_index
    row = edge_index[0]
    col = edge_index[1]
    # B = torch.cat([data.x[col], data.x[row]], dim=-1).detach()
    B = jnp.concatenate([jnp.take(x, col, axis=0), jnp.take(x, row, axis=0)], axis=-1)
    B = jax.lax.stop_gradient(B)
    # self.edgec(B): Linear -> Tanh -> Linear -> Sigmoid
    h = jnp.tanh(B @ W1 + b1)
    out = jax.nn.sigmoid(h @ W2 + b2)
    return out

if __name__ == "__main__":
    import jax
    _d = setup_inputs()
    print(jax.jit(kernel)(*tuple(_d.values())))

</pallas_src>

<mosaic_0001>
#map = affine_map<(d0, d1) -> (0)>
module attributes {stable_mosaic.version = 14 : i64} {
  func.func @sc_edge_mlp(%arg0: i32, %arg1: i32, %arg2: memref<80000xi32, #tpu.memory_space<hbm>>, %arg3: memref<640000xi32, #tpu.memory_space<hbm>>, %arg4: memref<16xi32, #tpu.memory_space<hbm>>, %arg5: memref<320000xf32, #tpu.memory_space<hbm>>, %arg6: memref<80000xi32, #tpu.memory_space<vmem>>, %arg7: memref<10000xi32, #tpu.memory_space<vmem>>, %arg8: memref<10000xi32, #tpu.memory_space<vmem>>, %arg9: memref<10000xf32, #tpu.memory_space<vmem>>, %arg10: memref<16xi32, #tpu.memory_space<vmem>>, %arg11: memref<80000xi32, #tpu.memory_space<vmem_shared>>, %arg12: memref<!tpu.dma_semaphore, #tpu.memory_space<semaphore_mem>>, %arg13: memref<!tpu.dma_semaphore, #tpu.memory_space<semaphore_mem>>, %arg14: memref<!tpu.dma_semaphore, #tpu.memory_space<semaphore_mem>>) attributes {dimension_semantics = [#tpu.dimension_semantics<core_parallel>, #tpu.dimension_semantics<subcore_parallel>], iteration_bounds = array<i64: 2, 16>, scalar_prefetch = 0 : i64, scratch_operands = 9 : i64, tpu.core_type = #tpu.core_type<sc_vector_subcore>, window_params = [{transform_indices = #map}, {transform_indices = #map}, {transform_indices = #map}, {transform_indices = #map}]} {
    %mul3A = arith.constant 2 : i32
    %mul3A_0 = arith.muli %arg1, %mul3A : i32
    %add3A = arith.addi %mul3A_0, %arg0 : i32
    %mul3A_1 = arith.constant 10000 : i32
    %mul3A_2 = arith.muli %add3A, %mul3A_1 : i32
    %add3A_3 = arith.constant 320000 : i32
    %add3A_4 = arith.addi %add3A_3, %mul3A_2 : i32
    %dma_start3A = tpu.memref_slice %arg3[%add3A_4] : memref<640000xi32, #tpu.memory_space<hbm>> -> memref<10000xi32, #tpu.memory_space<hbm>>
    %dma_start3A_5 = tpu.memref_slice %arg3[%add3A_4] : memref<640000xi32, #tpu.memory_space<hbm>> -> memref<10000xi32, #tpu.memory_space<hbm>>
    tpu.enqueue_dma source(%dma_start3A_5 : memref<10000xi32, #tpu.memory_space<hbm>>) target(%arg7 : memref<10000xi32, #tpu.memory_space<vmem>>) target_semaphore(%arg12 : memref<!tpu.dma_semaphore, #tpu.memory_space<semaphore_mem>>)
    %dma_start3A_6 = tpu.memref_slice %arg3[%mul3A_2] : memref<640000xi32, #tpu.memory_space<hbm>> -> memref<10000xi32, #tpu.memory_space<hbm>>
    %dma_start3A_7 = tpu.memref_slice %arg3[%mul3A_2] : memref<640000xi32, #tpu.memory_space<hbm>> -> memref<10000xi32, #tpu.memory_space<hbm>>
    tpu.enqueue_dma source(%dma_start3A_7 : memref<10000xi32, #tpu.memory_space<hbm>>) target(%arg8 : memref<10000xi32, #tpu.memory_space<vmem>>) target_semaphore(%arg13 : memref<!tpu.dma_semaphore, #tpu.memory_space<semaphore_mem>>)
    tpu.enqueue_dma source(%arg4 : memref<16xi32, #tpu.memory_space<hbm>>) target(%arg10 : memref<16xi32, #tpu.memory_space<vmem>>) target_semaphore(%arg14 : memref<!tpu.dma_semaphore, #tpu.memory_space<semaphore_mem>>)
    %eq3A = arith.constant 0 : i32
    "tpu.trace_start"() <{level = 10 : i32, message = "stage_tab"}> : () -> ()
    %eq3A_8 = arith.cmpi eq, %arg1, %eq3A : i32
    %convert_element_type3A = arith.extui %eq3A_8 : i1 to i32
    %cond3A = arith.constant 0 : i32
    %cond3A_9 = arith.cmpi ne, %convert_element_type3A, %cond3A : i32
    scf.if %cond3A_9 {
      "tpu.region"() ({
        %run_scoped3A = tpu.sem_alloc : memref<!tpu.dma_semaphore, #tpu.memory_space<semaphore_mem>>
        tpu.enqueue_dma source(%arg2 : memref<80000xi32, #tpu.memory_space<hbm>>) target(%arg11 : memref<80000xi32, #tpu.memory_space<vmem_shared>>) target_semaphore(%run_scoped3A : memref<!tpu.dma_semaphore, #tpu.memory_space<semaphore_mem>>)
        tpu.wait_dma2 semaphore(%run_scoped3A : memref<!tpu.dma_semaphore, #tpu.memory_space<semaphore_mem>>) src(%arg2 : memref<80000xi32, #tpu.memory_space<hbm>>) dst(%arg11 : memref<80000xi32, #tpu.memory_space<vmem_shared>>)
        tpu.yield
      }) : () -> ()
    } else {
    }
    %barrier3A = arith.constant 0 : index
    tpu.barrier barrier_id(%barrier3A)
    "tpu.region"() ({
      %run_scoped3A = tpu.sem_alloc : memref<!tpu.dma_semaphore, #tpu.memory_space<semaphore_mem>>
      tpu.enqueue_dma source(%arg11 : memref<80000xi32, #tpu.memory_space<vmem_shared>>) target(%arg6 : memref<80000xi32, #tpu.memory_space<vmem>>) target_semaphore(%run_scoped3A : memref<!tpu.dma_semaphore, #tpu.memory_space<semaphore_mem>>)
      tpu.wait_dma2 semaphore(%run_scoped3A : memref<!tpu.dma_semaphore, #tpu.memory_space<semaphore_mem>>) src(%arg11 : memref<80000xi32, #tpu.memory_space<vmem_shared>>) dst(%arg6 : memref<80000xi32, #tpu.memory_space<vmem>>)
      tpu.yield
    }) : () -> ()
    "tpu.trace_stop"() : () -> ()
    %dma_wait3A = tpu.memref_slice %arg3[%add3A_4] : memref<640000xi32, #tpu.memory_space<hbm>> -> memref<10000xi32, #tpu.memory_space<hbm>>
    %dma_wait3A_10 = tpu.memref_slice %arg3[%add3A_4] : memref<640000xi32, #tpu.memory_space<hbm>> -> memref<10000xi32, #tpu.memory_space<hbm>>
    tpu.wait_dma2 semaphore(%arg12 : memref<!tpu.dma_semaphore, #tpu.memory_space<semaphore_mem>>) src(%dma_wait3A_10 : memref<10000xi32, #tpu.memory_space<hbm>>) dst(%arg7 : memref<10000xi32, #tpu.memory_space<vmem>>)
    %dma_wait3A_11 = tpu.memref_slice %arg3[%mul3A_2] : memref<640000xi32, #tpu.memory_space<hbm>> -> memref<10000xi32, #tpu.memory_space<hbm>>
    %dma_wait3A_12 = tpu.memref_slice %arg3[%mul3A_2] : memref<640000xi32, #tpu.memory_space<hbm>> -> memref<10000xi32, #tpu.memory_space<hbm>>
    tpu.wait_dma2 semaphore(%arg13 : memref<!tpu.dma_semaphore, #tpu.memory_space<semaphore_mem>>) src(%dma_wait3A_12 : memref<10000xi32, #tpu.memory_space<hbm>>) dst(%arg8 : memref<10000xi32, #tpu.memory_space<vmem>>)
    tpu.wait_dma2 semaphore(%arg14 : memref<!tpu.dma_semaphore, #tpu.memory_space<semaphore_mem>>) src(%arg4 : memref<16xi32, #tpu.memory_space<hbm>>) dst(%arg10 : memref<16xi32, #tpu.memory_space<vmem>>)
    %get3A = arith.constant 0 : index
    %get3A_13 = tpu.vector_load %arg10[%get3A] {strides = array<i32>} : memref<16xi32, #tpu.memory_space<vmem>>, vector<16xi32>,
    %bitcast3A = vector.bitcast %get3A_13 : vector<16xi32> to vector<16xf32>
    %slice3A = vector.extract_strided_slice %bitcast3A {offsets = [4], sizes = [1], strides = [1]} : vector<16xf32> to vector<1xf32>
    %squeeze3A = vector.extract %slice3A[0] : f32 from vector<1xf32>
    %broadcast_in_dim3A = arith.constant 0 : i32
    %broadcast_in_dim3A_14 = vector.broadcast %broadcast_in_dim3A : i32 to vector<16xi32>
    %slice3A_15 = vector.extract_strided_slice %get3A_13 {offsets = [0], sizes = [1], strides = [1]} : vector<16xi32> to vector<1xi32>
    %squeeze3A_16 = vector.extract %slice3A_15[0] : i32 from vector<1xi32>
    %add3A_17 = vector.broadcast %squeeze3A_16 : i32 to vector<16xi32>
    %add3A_18 = arith.addi %broadcast_in_dim3A_14, %add3A_17 : vector<16xi32>
    %bitcast3A_19 = vector.bitcast %add3A_18 : vector<16xi32> to vector<32xbf16>
    %broadcast_in_dim3A_20 = arith.constant 0 : i32
    %broadcast_in_dim3A_21 = vector.broadcast %broadcast_in_dim3A_20 : i32 to vector<16xi32>
    %slice3A_22 = vector.extract_strided_slice %get3A_13 {offsets = [1], sizes = [1], strides = [1]} : vector<16xi32> to vector<1xi32>
    %squeeze3A_23 = vector.extract %slice3A_22[0] : i32 from vector<1xi32>
    %add3A_24 = vector.broadcast %squeeze3A_23 : i32 to vector<16xi32>
    %add3A_25 = arith.addi %broadcast_in_dim3A_21, %add3A_24 : vector<16xi32>
    %bitcast3A_26 = vector.bitcast %add3A_25 : vector<16xi32> to vector<32xbf16>
    %broadcast_in_dim3A_27 = arith.constant 0 : i32
    %broadcast_in_dim3A_28 = vector.broadcast %broadcast_in_dim3A_27 : i32 to vector<16xi32>
    %slice3A_29 = vector.extract_strided_slice %get3A_13 {offsets = [2], sizes = [1], strides = [1]} : vector<16xi32> to vector<1xi32>
    %squeeze3A_30 = vector.extract %slice3A_29[0] : i32 from vector<1xi32>
    %add3A_31 = vector.broadcast %squeeze3A_30 : i32 to vector<16xi32>
    %add3A_32 = arith.addi %broadcast_in_dim3A_28, %add3A_31 : vector<16xi32>
    %bitcast3A_33 = vector.bitcast %add3A_32 : vector<16xi32> to vector<32xbf16>
    %broadcast_in_dim3A_34 = arith.constant 0 : i32
    %broadcast_in_dim3A_35 = vector.broadcast %broadcast_in_dim3A_34 : i32 to vector<16xi32>
    %slice3A_36 = vector.extract_strided_slice %get3A_13 {offsets = [3], sizes = [1], strides = [1]} : vector<16xi32> to vector<1xi32>
    %squeeze3A_37 = vector.extract %slice3A_36[0] : i32 from vector<1xi32>
    %add3A_38 = vector.broadcast %squeeze3A_37 : i32 to vector<16xi32>
    %add3A_39 = arith.addi %broadcast_in_dim3A_35, %add3A_38 : vector<16xi32>
    %bitcast3A_40 = vector.bitcast %add3A_39 : vector<16xi32> to vector<32xbf16>
    %parallel_loop3A = arith.constant 0 : i32
    %parallel_loop3A_41 = arith.constant 10000 : i32
    %parallel_loop3A_42 = arith.constant 16 : i32
    "tpu.trace_start"() <{level = 10 : i32, message = "mainloop"}> : () -> ()
    scf.for %parallel_loop3A_43 = %parallel_loop3A to %parallel_loop3A_41 step %parallel_loop3A_42  : i32 {
      %parallel_loop3A_44 = arith.index_cast %parallel_loop3A_43 : i32 to index
      %parallel_loop3A_45 = tpu.vector_load %arg7[%parallel_loop3A_44] {strides = array<i32>} : memref<10000xi32, #tpu.memory_space<vmem>>, vector<16xi32>,
      %parallel_loop3A_46 = arith.index_cast %parallel_loop3A_43 : i32 to index
      %parallel_loop3A_47 = tpu.vector_load %arg8[%parallel_loop3A_46] {strides = array<i32>} : memref<10000xi32, #tpu.memory_space<vmem>>, vector<16xi32>,
      %parallel_loop3A_48 = arith.constant 3 : i32
      %parallel_loop3A_49 = vector.broadcast %parallel_loop3A_48 : i32 to vector<16xi32>
      %parallel_loop3A_50 = arith.shli %parallel_loop3A_45, %parallel_loop3A_49 : vector<16xi32>
      %parallel_loop3A_51 = arith.constant 3 : i32
      %parallel_loop3A_52 = vector.broadcast %parallel_loop3A_51 : i32 to vector<16xi32>
      %parallel_loop3A_53 = arith.shli %parallel_loop3A_47, %parallel_loop3A_52 : vector<16xi32>
      %parallel_loop3A_54 = arith.constant 4 : i32
      %parallel_loop3A_55 = vector.broadcast %parallel_loop3A_54 : i32 to vector<16xi32>
      %parallel_loop3A_56 = arith.addi %parallel_loop3A_53, %parallel_loop3A_55 : vector<16xi32>
      %parallel_loop3A_57 = arith.constant 0 : i32
      %parallel_loop3A_58 = vector.broadcast %parallel_loop3A_57 : i32 to vector<16xi32>
      %parallel_loop3A_59 = arith.addi %parallel_loop3A_50, %parallel_loop3A_58 : vector<16xi32>
      %parallel_loop3A_60 = tpu.vector_load_idx %arg6[%parallel_loop3A_59] : memref<80000xi32, #tpu.memory_space<vmem>>[vector<16xi32>], vector<16xi32>,
      %parallel_loop3A_61 = arith.constant 0 : i32
      %parallel_loop3A_62 = vector.broadcast %parallel_loop3A_61 : i32 to vector<16xi32>
      %parallel_loop3A_63 = arith.addi %parallel_loop3A_56, %parallel_loop3A_62 : vector<16xi32>
      %parallel_loop3A_64 = tpu.vector_load_idx %arg6[%parallel_loop3A_63] : memref<80000xi32, #tpu.memory_space<vmem>>[vector<16xi32>], vector<16xi32>,
      %parallel_loop3A_65 = vector.bitcast %parallel_loop3A_60 : vector<16xi32> to vector<32xbf16>
      %parallel_loop3A_66 = vector.bitcast %parallel_loop3A_64 : vector<16xi32> to vector<32xbf16>
      %parallel_loop3A_67 = arith.addf %parallel_loop3A_65, %parallel_loop3A_66 : vector<32xbf16>
      %parallel_loop3A_68 = math.exp %parallel_loop3A_67 : vector<32xbf16>
      %parallel_loop3A_69 = arith.constant 1.000000e+00 : bf16
      %parallel_loop3A_70 = vector.broadcast %parallel_loop3A_69 : bf16 to vector<32xbf16>
      %parallel_loop3A_71 = arith.addf %parallel_loop3A_68, %parallel_loop3A_70 : vector<32xbf16>
      %parallel_loop3A_72 = arith.constant 1 : i32
      %parallel_loop3A_73 = vector.broadcast %parallel_loop3A_72 : i32 to vector<16xi32>
      %parallel_loop3A_74 = arith.addi %parallel_loop3A_50, %parallel_loop3A_73 : vector<16xi32>
      %parallel_loop3A_75 = tpu.vector_load_idx %arg6[%parallel_loop3A_74] : memref<80000xi32, #tpu.memory_space<vmem>>[vector<16xi32>], vector<16xi32>,
      %parallel_loop3A_76 = arith.constant 1 : i32
      %parallel_loop3A_77 = vector.broadcast %parallel_loop3A_76 : i32 to vector<16xi32>
      %parallel_loop3A_78 = arith.addi %parallel_loop3A_56, %parallel_loop3A_77 : vector<16xi32>
      %parallel_loop3A_79 = tpu.vector_load_idx %arg6[%parallel_loop3A_78] : memref<80000xi32, #tpu.memory_space<vmem>>[vector<16xi32>], vector<16xi32>,
      %parallel_loop3A_80 = vector.bitcast %parallel_loop3A_75 : vector<16xi32> to vector<32xbf16>
      %parallel_loop3A_81 = vector.bitcast %parallel_loop3A_79 : vector<16xi32> to vector<32xbf16>
      %parallel_loop3A_82 = arith.addf %parallel_loop3A_80, %parallel_loop3A_81 : vector<32xbf16>
      %parallel_loop3A_83 = math.exp %parallel_loop3A_82 : vector<32xbf16>
      %parallel_loop3A_84 = arith.constant 1.000000e+00 : bf16
      %parallel_loop3A_85 = vector.broadcast %parallel_loop3A_84 : bf16 to vector<32xbf16>
      %parallel_loop3A_86 = arith.addf %parallel_loop3A_83, %parallel_loop3A_85 : vector<32xbf16>
      %parallel_loop3A_87 = arith.constant 2 : i32
      %parallel_loop3A_88 = vector.broadcast %parallel_loop3A_87 : i32 to vector<16xi32>
      %parallel_loop3A_89 = arith.addi %parallel_loop3A_50, %parallel_loop3A_88 : vector<16xi32>
      %parallel_loop3A_90 = tpu.vector_load_idx %arg6[%parallel_loop3A_89] : memref<80000xi32, #tpu.memory_space<vmem>>[vector<16xi32>], vector<16xi32>,
      %parallel_loop3A_91 = arith.constant 2 : i32
      %parallel_loop3A_92 = vector.broadcast %parallel_loop3A_91 : i32 to vector<16xi32>
      %parallel_loop3A_93 = arith.addi %parallel_loop3A_56, %parallel_loop3A_92 : vector<16xi32>
      %parallel_loop3A_94 = tpu.vector_load_idx %arg6[%parallel_loop3A_93] : memref<80000xi32, #tpu.memory_space<vmem>>[vector<16xi32>], vector<16xi32>,
      %parallel_loop3A_95 = vector.bitcast %parallel_loop3A_90 : vector<16xi32> to vector<32xbf16>
      %parallel_loop3A_96 = vector.bitcast %parallel_loop3A_94 : vector<16xi32> to vector<32xbf16>
      %parallel_loop3A_97 = arith.addf %parallel_loop3A_95, %parallel_loop3A_96 : vector<32xbf16>
      %parallel_loop3A_98 = math.exp %parallel_loop3A_97 : vector<32xbf16>
      %parallel_loop3A_99 = arith.constant 1.000000e+00 : bf16
      %parallel_loop3A_100 = vector.broadcast %parallel_loop3A_99 : bf16 to vector<32xbf16>
      %parallel_loop3A_101 = arith.addf %parallel_loop3A_98, %parallel_loop3A_100 : vector<32xbf16>
      %parallel_loop3A_102 = arith.constant 3 : i32
      %parallel_loop3A_103 = vector.broadcast %parallel_loop3A_102 : i32 to vector<16xi32>
      %parallel_loop3A_104 = arith.addi %parallel_loop3A_50, %parallel_loop3A_103 : vector<16xi32>
      %parallel_loop3A_105 = tpu.vector_load_idx %arg6[%parallel_loop3A_104] : memref<80000xi32, #tpu.memory_space<vmem>>[vector<16xi32>], vector<16xi32>,
      %parallel_loop3A_106 = arith.constant 3 : i32
      %parallel_loop3A_107 = vector.broadcast %parallel_loop3A_106 : i32 to vector<16xi32>
      %parallel_loop3A_108 = arith.addi %parallel_loop3A_56, %parallel_loop3A_107 : vector<16xi32>
      %parallel_loop3A_109 = tpu.vector_load_idx %arg6[%parallel_loop3A_108] : memref<80000xi32, #tpu.memory_space<vmem>>[vector<16xi32>], vector<16xi32>,
      %parallel_loop3A_110 = vector.bitcast %parallel_loop3A_105 : vector<16xi32> to vector<32xbf16>
      %parallel_loop3A_111 = vector.bitcast %parallel_loop3A_109 : vector<16xi32> to vector<32xbf16>
      %parallel_loop3A_112 = arith.addf %parallel_loop3A_110, %parallel_loop3A_111 : vector<32xbf16>
      %parallel_loop3A_113 = math.exp %parallel_loop3A_112 : vector<32xbf16>
      %parallel_loop3A_114 = arith.constant 1.000000e+00 : bf16
      %parallel_loop3A_115 = vector.broadcast %parallel_loop3A_114 : bf16 to vector<32xbf16>
      %parallel_loop3A_116 = arith.addf %parallel_loop3A_113, %parallel_loop3A_115 : vector<32xbf16>
      %parallel_loop3A_117 = arith.mulf %bitcast3A_19, %parallel_loop3A_86 : vector<32xbf16>
      %parallel_loop3A_118 = arith.mulf %bitcast3A_26, %parallel_loop3A_71 : vector<32xbf16>
      %parallel_loop3A_119 = arith.addf %parallel_loop3A_117, %parallel_loop3A_118 : vector<32xbf16>
      %parallel_loop3A_120 = arith.mulf %bitcast3A_33, %parallel_loop3A_116 : vector<32xbf16>
      %parallel_loop3A_121 = arith.mulf %bitcast3A_40, %parallel_loop3A_101 : vector<32xbf16>
      %parallel_loop3A_122 = arith.addf %parallel_loop3A_120, %parallel_loop3A_121 : vector<32xbf16>
      %parallel_loop3A_123 = arith.mulf %parallel_loop3A_71, %parallel_loop3A_86 : vector<32xbf16>
      %parallel_loop3A_124 = arith.mulf %parallel_loop3A_101, %parallel_loop3A_116 : vector<32xbf16>
      %parallel_loop3A_125 = arith.mulf %parallel_loop3A_119, %parallel_loop3A_124 : vector<32xbf16>
      %parallel_loop3A_126 = arith.mulf %parallel_loop3A_122, %parallel_loop3A_123 : vector<32xbf16>
      %parallel_loop3A_127 = arith.addf %parallel_loop3A_125, %parallel_loop3A_126 : vector<32xbf16>
      %parallel_loop3A_128 = arith.mulf %parallel_loop3A_123, %parallel_loop3A_124 : vector<32xbf16>
      %parallel_loop3A_129 = arith.divf %parallel_loop3A_127, %parallel_loop3A_128 : vector<32xbf16>
      %parallel_loop3A_130 = tpu.unpack_subelements %parallel_loop3A_129, 0 {pack_format = #tpu.pack_format<interleaved>} : vector<32xbf16> -> vector<16xf32>
      %parallel_loop3A_131 = tpu.unpack_subelements %parallel_loop3A_129, 1 {pack_format = #tpu.pack_format<interleaved>} : vector<32xbf16> -> vector<16xf32>
      %parallel_loop3A_132 = arith.addf %parallel_loop3A_130, %parallel_loop3A_131 : vector<16xf32>
      %parallel_loop3A_133 = vector.broadcast %squeeze3A : f32 to vector<16xf32>
      %parallel_loop3A_134 = arith.addf %parallel_loop3A_132, %parallel_loop3A_133 : vector<16xf32>
      %parallel_loop3A_135 = math.exp %parallel_loop3A_134 : vector<16xf32>
      %parallel_loop3A_136 = arith.constant 1.000000e+00 : f32
      %parallel_loop3A_137 = vector.broadcast %parallel_loop3A_136 : f32 to vector<16xf32>
      %parallel_loop3A_138 = arith.addf %parallel_loop3A_137, %parallel_loop3A_135 : vector<16xf32>
      %parallel_loop3A_139 = arith.constant 1.000000e+00 : f32
      %parallel_loop3A_140 = vector.broadcast %parallel_loop3A_139 : f32 to vector<16xf32>
      %parallel_loop3A_141 = arith.divf %parallel_loop3A_140, %parallel_loop3A_138 : vector<16xf32>
      %parallel_loop3A_142 = arith.index_cast %parallel_loop3A_43 : i32 to index
      %parallel_loop3A_143 = tpu.vector_load %arg9[%parallel_loop3A_142] {strides = array<i32>} : memref<10000xf32, #tpu.memory_space<vmem>>, vector<16xf32>,
      tpu.vector_store %arg9[%parallel_loop3A_142], %parallel_loop3A_141 {strides = array<i32>} : memref<10000xf32, #tpu.memory_space<vmem>>, vector<16xf32>,
    } {sc.loop_unroll_factor = 2 : i64, sc.parallel_access}
    "tpu.trace_stop"() : () -> ()
    "tpu.region"() ({
      %run_scoped3A = tpu.sem_alloc : memref<!tpu.dma_semaphore, #tpu.memory_space<semaphore_mem>>
      %dma_start3A_43 = tpu.memref_slice %arg5[%mul3A_2] : memref<320000xf32, #tpu.memory_space<hbm>> -> memref<10000xf32, #tpu.memory_space<hbm>>
      %dma_start3A_44 = tpu.memref_slice %arg5[%mul3A_2] : memref<320000xf32, #tpu.memory_space<hbm>> -> memref<10000xf32, #tpu.memory_space<hbm>>
      tpu.enqueue_dma source(%arg9 : memref<10000xf32, #tpu.memory_space<vmem>>) target(%dma_start3A_44 : memref<10000xf32, #tpu.memory_space<hbm>>) target_semaphore(%run_scoped3A : memref<!tpu.dma_semaphore, #tpu.memory_space<semaphore_mem>>)
      %dma_wait3A_45 = tpu.memref_slice %arg5[%mul3A_2] : memref<320000xf32, #tpu.memory_space<hbm>> -> memref<10000xf32, #tpu.memory_space<hbm>>
      %dma_wait3A_46 = tpu.memref_slice %arg5[%mul3A_2] : memref<320000xf32, #tpu.memory_space<hbm>> -> memref<10000xf32, #tpu.memory_space<hbm>>
      tpu.wait_dma2 semaphore(%run_scoped3A : memref<!tpu.dma_semaphore, #tpu.memory_space<semaphore_mem>>) src(%arg9 : memref<10000xf32, #tpu.memory_space<vmem>>) dst(%dma_wait3A_46 : memref<10000xf32, #tpu.memory_space<hbm>>)
      tpu.yield
    }) : () -> ()
    return
  }
}

module attributes {stable_mosaic.version = 14 : i64} {
  func.func @_proj_pack_body(%arg0: i32, %arg1: memref<5000x128xf32, #tpu.memory_space<vmem>>, %arg2: memref<128x8xf32, #tpu.memory_space<vmem>>, %arg3: memref<128x8xf32, #tpu.memory_space<vmem>>, %arg4: memref<8x8xf32, #tpu.memory_space<vmem>>, %arg5: memref<8x8xf32, #tpu.memory_space<vmem>>, %arg6: memref<5000x8xi32, #tpu.memory_space<vmem>>) attributes {dimension_semantics = [#tpu.dimension_semantics<arbitrary>], iteration_bounds = array<i64: 2>, scalar_prefetch = 0 : i64, scratch_operands = 0 : i64, tpu.core_type = #tpu.core_type<tc>, window_params = [{transform_indices = @transform_0, window_bounds = array<i64: 5000, 128>}, {pipeline_mode = #tpu.pipeline_mode<synchronous>, transform_indices = @transform_1, window_bounds = array<i64: 128, 8>}, {pipeline_mode = #tpu.pipeline_mode<synchronous>, transform_indices = @transform_2, window_bounds = array<i64: 128, 8>}, {pipeline_mode = #tpu.pipeline_mode<synchronous>, transform_indices = @transform_3, window_bounds = array<i64: 8, 8>}, {pipeline_mode = #tpu.pipeline_mode<synchronous>, transform_indices = @transform_4, window_bounds = array<i64: 8, 8>}, {transform_indices = @transform_5, window_bounds = array<i64: 5000, 8>}]} {
    %get3A = arith.constant 0 : index
    %get3A_0 = arith.constant 0 : index
    %get3A_1 = vector.load %arg1[%get3A, %get3A_0] : memref<5000x128xf32, #tpu.memory_space<vmem>>, vector<5000x128xf32>
    %get3A_2 = arith.constant 0 : index
    %get3A_3 = arith.constant 0 : index
    %get3A_4 = vector.load %arg2[%get3A_2, %get3A_3] : memref<128x8xf32, #tpu.memory_space<vmem>>, vector<128x8xf32>
    %dot_general3A = arith.constant dense<0.000000e+00> : vector<5000x8xf32>
    %dot_general3A_5 = tpu.matmul %get3A_1, %get3A_4, %dot_general3A {dimension_numbers = #tpu.dot_dimension_numbers<[1], [0], [0], [1], [0, 0, 1, 1], [], []>, transpose_lhs_hint = false} : vector<5000x128xf32>, vector<128x8xf32>, vector<5000x8xf32> -> vector<5000x8xf32>
    %get3A_6 = arith.constant 0 : index
    %get3A_7 = arith.constant 0 : index
    %get3A_8 = vector.load %arg4[%get3A_6, %get3A_7] : memref<8x8xf32, #tpu.memory_space<vmem>>, vector<1x8xf32>
    %add3A = vector.broadcast %get3A_8 : vector<1x8xf32> to vector<5000x8xf32>
    %add3A_9 = arith.addf %dot_general3A_5, %add3A : vector<5000x8xf32>
    %get3A_10 = arith.constant 0 : index
    %get3A_11 = arith.constant 0 : index
    %get3A_12 = vector.load %arg1[%get3A_10, %get3A_11] : memref<5000x128xf32, #tpu.memory_space<vmem>>, vector<5000x128xf32>
    %get3A_13 = arith.constant 0 : index
    %get3A_14 = arith.constant 0 : index
    %get3A_15 = vector.load %arg3[%get3A_13, %get3A_14] : memref<128x8xf32, #tpu.memory_space<vmem>>, vector<128x8xf32>
    %dot_general3A_16 = arith.constant dense<0.000000e+00> : vector<5000x8xf32>
    %dot_general3A_17 = tpu.matmul %get3A_12, %get3A_15, %dot_general3A_16 {dimension_numbers = #tpu.dot_dimension_numbers<[1], [0], [0], [1], [0, 0, 1, 1], [], []>, transpose_lhs_hint = false} : vector<5000x128xf32>, vector<128x8xf32>, vector<5000x8xf32> -> vector<5000x8xf32>
    %get3A_18 = arith.constant 0 : index
    %get3A_19 = arith.constant 0 : index
    %get3A_20 = vector.load %arg5[%get3A_18, %get3A_19] : memref<8x8xf32, #tpu.memory_space<vmem>>, vector<1x8xf32>
    %add3A_21 = vector.broadcast %get3A_20 : vector<1x8xf32> to vector<5000x8xf32>
    %add3A_22 = arith.addf %dot_general3A_17, %add3A_21 : vector<5000x8xf32>
    %bitcast_convert_type3A = tpu.bitcast %add3A_9 : vector<5000x8xf32> -> vector<5000x8xi32>
    %add3A_23 = arith.constant 32767 : i32
    %add3A_24 = vector.broadcast %add3A_23 : i32 to vector<5000x8xi32>
    %add3A_25 = arith.addi %bitcast_convert_type3A, %add3A_24 : vector<5000x8xi32>
    %shift_right_logical3A = arith.constant 16 : i32
    %shift_right_logical3A_26 = vector.broadcast %shift_right_logical3A : i32 to vector<5000x8xi32>
    %shift_right_logical3A_27 = arith.shrui %bitcast_convert_type3A, %shift_right_logical3A_26 : vector<5000x8xi32>
    %and3A = arith.constant 1 : i32
    %and3A_28 = vector.broadcast %and3A : i32 to vector<5000x8xi32>
    %and3A_29 = arith.andi %shift_right_logical3A_27, %and3A_28 : vector<5000x8xi32>
    %add3A_30 = arith.addi %add3A_25, %and3A_29 : vector<5000x8xi32>
    %and3A_31 = arith.constant -65536 : i32
    %and3A_32 = vector.broadcast %and3A_31 : i32 to vector<5000x8xi32>
    %and3A_33 = arith.andi %add3A_30, %and3A_32 : vector<5000x8xi32>
    %bitcast_convert_type3A_34 = tpu.bitcast %add3A_22 : vector<5000x8xf32> -> vector<5000x8xi32>
    %add3A_35 = arith.constant 32767 : i32
    %add3A_36 = vector.broadcast %add3A_35 : i32 to vector<5000x8xi32>
    %add3A_37 = arith.addi %bitcast_convert_type3A_34, %add3A_36 : vector<5000x8xi32>
    %shift_right_logical3A_38 = arith.constant 16 : i32
    %shift_right_logical3A_39 = vector.broadcast %shift_right_logical3A_38 : i32 to vector<5000x8xi32>
    %shift_right_logical3A_40 = arith.shrui %bitcast_convert_type3A_34, %shift_right_logical3A_39 : vector<5000x8xi32>
    %and3A_41 = arith.constant 1 : i32
    %and3A_42 = vector.broadcast %and3A_41 : i32 to vector<5000x8xi32>
    %and3A_43 = arith.andi %shift_right_logical3A_40, %and3A_42 : vector<5000x8xi32>
    %add3A_44 = arith.addi %add3A_37, %and3A_43 : vector<5000x8xi32>
    %and3A_45 = arith.constant -65536 : i32
    %and3A_46 = vector.broadcast %and3A_45 : i32 to vector<5000x8xi32>
    %and3A_47 = arith.andi %add3A_44, %and3A_46 : vector<5000x8xi32>
    %shift_right_logical3A_48 = arith.constant 16 : i32
    %shift_right_logical3A_49 = vector.broadcast %shift_right_logical3A_48 : i32 to vector<5000x8xi32>
    %shift_right_logical3A_50 = arith.shrui %and3A_33, %shift_right_logical3A_49 : vector<5000x8xi32>
    %or3A = arith.ori %shift_right_logical3A_50, %and3A_47 : vector<5000x8xi32>
    %bitcast_convert_type3A_51 = tpu.bitcast %or3A : vector<5000x8xi32> -> vector<5000x8xi32>
    %swap3A = arith.constant 0 : index
    %swap3A_52 = arith.constant 0 : index
    %swap3A_53 = vector.load %arg6[%swap3A, %swap3A_52] : memref<5000x8xi32, #tpu.memory_space<vmem>>, vector<5000x8xi32>
    tpu.vector_store %arg6[%swap3A, %swap3A_52], %bitcast_convert_type3A_51 {strides = array<i32>} : memref<5000x8xi32, #tpu.memory_space<vmem>>, vector<5000x8xi32>,
    return
  }
  func.func @transform_0(%arg0: i32) -> (i32, i32) {
    %c0_i32 = arith.constant 0 : i32
    %c0_i32_0 = arith.constant 0 : i32
    return %arg0, %c0_i32 : i32, i32
  }
  func.func @transform_1(%arg0: i32) -> (i32, i32) {
    %c0_i32 = arith.constant 0 : i32
    %c0_i32_0 = arith.constant 0 : i32
    %c0_i32_1 = arith.constant 0 : i32
    return %c0_i32, %c0_i32_0 : i32, i32
  }
  func.func @transform_2(%arg0: i32) -> (i32, i32) {
    %c0_i32 = arith.constant 0 : i32
    %c0_i32_0 = arith.constant 0 : i32
    %c0_i32_1 = arith.constant 0 : i32
    return %c0_i32, %c0_i32_0 : i32, i32
  }
  func.func @transform_3(%arg0: i32) -> (i32, i32) {
    %c0_i32 = arith.constant 0 : i32
    %c0_i32_0 = arith.constant 0 : i32
    %c0_i32_1 = arith.constant 0 : i32
    return %c0_i32, %c0_i32_0 : i32, i32
  }
  func.func @transform_4(%arg0: i32) -> (i32, i32) {
    %c0_i32 = arith.constant 0 : i32
    %c0_i32_0 = arith.constant 0 : i32
    %c0_i32_1 = arith.constant 0 : i32
    return %c0_i32, %c0_i32_0 : i32, i32
  }
  func.func @transform_5(%arg0: i32) -> (i32, i32) {
    %c0_i32 = arith.constant 0 : i32
    %c0_i32_0 = arith.constant 0 : i32
    return %arg0, %c0_i32 : i32, i32
  }
}

</mosaic_0001>

<sc_bundles>
// kernel: kernel.4.cloned.1.call-start
scs
__scs_entry_jumppad:
0x0: {  	(pc) =	sbr.rel $0x88, $3  }
0x1: {  	(tag) =	ssettag $0x0;
	lr =	simm.s32 $0x1  }
0x2: {  	[smem:$0x3F9B] =	sst lr;
	_ =	strace $0xD0000000  }
0x3: {  	_ = 	snop  }
0x4: {  	_ = 	snop  }
0x5: {  	_ = 	snop  }
0x6: {  	_ = 	snop  }
0x7: {  	_ = 	snop  }
__scs_overlays_trampoline_lowered:
0x8: {  	[smem:$0x3FAA] =	sst s0  }
0x9: {  	[smem:$0x3FAB] =	sst s1  }
0xa: {  	[smem:$0x3FAC] =	sst s2  }
0xb: {  	[smem:$0x3FAD] =	sst s3  }
0xc: {  	[smem:$0x3FAE] =	sst s4  }
0xd: {  	[smem:$0x3FAF] =	sst s5  }
0xe: {  	[smem:$0x3FB0] =	sst s6  }
0xf: {  	[smem:$0x3FB1] =	sst s7  }
0x10: {  	[smem:$0x3FB2] =	sst s8  }
0x11: {  	[smem:$0x3FB3] =	sst s9;
	s0 =	simm.s32 @!p0 $0x0  }
0x12: {  	s1 =	sld [smem:$0x3F99];
	s0 =	simm.s32 @p0 $0x1  }
0x13: {  	[smem:$0x3FB4] =	sst s0;
	s0 =	simm.s32 @!p1 $0x0  }
0x14: {  	s2 =	sld [smem:$0x3F98];
	s0 =	simm.s32 @p1 $0x1  }
0x15: {  	[smem:$0x3FB5] =	sst s0;
	s0 =	simm.s32 @!p2 $0x0  }
0x16: {  	s3 =	sld [smem:$0x3FDB];
	s0 =	simm.s32 @p2 $0x1  }
0x17: {  	s4 =	simm.s32 $0x1BF5;
	[smem:$0x3FB7] =	sst s0  }
0x18: {  	s0 =	sld [smem:$0x3F9A];
	_ =	swait.ge [sflag:s4], $0x0  }
0x19: {  	s7 =	sld [smem:$0x3F9B]  }
0x1a: {  	s8 =	sadd.s32 $0xFFFFE003, lr  }
0x1b: {  	s9 =	sadd.s32 $0xFFFFFEF7, lr;
	s5 =	simm.s32 $0xFFFFFFFF;
	p2 =	slt.u32 s8, $0xFFFFF086  }
0x1c: {  	p1 =	slt.u32 s9, $0xF7A;
	s5 =	simm.s32 @!p2 $0x0  }
0x1d: {  	s5 =	simm.s32 @p1 $0x1;
	p0 =	seq.s32 s7, s2  }
0x1e: {  	s7 =	smul.u32 @!p0 $0xF7A, s2;
	p2 =	seq.s32 @!p0 s5, $0x0  }
0x1f: {  	s9 =	smul.u32 $0xF7A, s1;
	s8 =	simm.s32 @!p0 $0x1BF5;
	p2 =	por !p2, p0  }
0x20: {  	[sflag:s8] =	ssyncset.s32 @!p0 $0xFFFFF086;
	s6 =	sadd.s32 @!p0 s3, s7;
	s7 =	simm.s32 @!p0 $0x108  }
0x21: {  	s3 =	sadd.s32 s3, s9;
	s6 =	sadd.s32 @!p0 $0x88, s6;
	s7 =	simm.s32 @p2 $0x1082  }
0x22: {  	[simem:s7], [sflag:s8] =	dma.local @!p0 [hbm:s6], $0xF7A  }
0x23: {  	s9 =	sor.u32 $0xD0000000, s2;
	s6 =	simm.s32 $0x108;
	_ =	swait.ge @!p0 [sflag:s8], $0x0  }
0x24: {  	s3 =	sadd.s32 $0x88, s3;
	s6 =	simm.s32 @!p1 $0x1082;
	[sflag:s4] =	ssyncset.s32 $0xFFFFF086  }
0x25: {  	[simem:s6], [sflag:s4] =	dma.local [hbm:s3], $0xF7A  }
0x26: {  	[smem:$0x3F9B] =	sst s1;
	(tag) =	ssettag s2;
	_ =	strace s9  }
0x27: {  	s1 =	sld [smem:$0x3FAB]  }
0x28: {  	s2 =	sld [smem:$0x3FAC]  }
0x29: {  	s4 =	sld [smem:$0x3FAE]  }
0x2a: {  	p0 =	seq.s32 s5, $0x0;
	s5 =	sld [smem:$0x3FAF]  }
0x2b: {  	s6 =	sld [smem:$0x3FB0]  }
0x2c: {  	s7 =	sld [smem:$0x3FB1]  }
0x2d: {  	s3 =	simm.s32 $0x108;
	s8 =	sld [smem:$0x3FB2]  }
0x2e: {  	s3 =	simm.s32 @!p0 $0x1082;
	s9 =	sld [smem:$0x3FB3]  }
0x2f: {  	lr =	sadd.s32 s0, s3;
	s0 =	sld [smem:$0x3FAA]  }
0x30: {  	s3 =	sld [smem:$0x3FAD]  }
0x31: {  	[smem:$0x3FB6] =	sst s10  }
0x32: {  	s10 =	sld [smem:$0x3FB4];
	_ =	sdelay $0x3  }
0x33: {  	p0 =	seq.s32 s10, $0x1;
	s10 =	sld [smem:$0x3FB6];
	_ =	sdelay $0x3  }
0x34: {  	[smem:$0x3FB6] =	sst s10  }
0x35: {  	s10 =	sld [smem:$0x3FB5];
	_ =	sdelay $0x3  }
0x36: {  	p1 =	seq.s32 s10, $0x1;
	s10 =	sld [smem:$0x3FB6];
	_ =	sdelay $0x3  }
0x37: {  	[smem:$0x3FB6] =	sst s10  }
0x38: {  	s10 =	sld [smem:$0x3FB7]  }
0x39: {  	_ = 	snop;
	(pc) =	sbr.ind lr, $3  }
0x3a: {  	_ = 	snop  }
0x3b: {  	_ = 	snop  }
0x3c: {  	p2 =	seq.s32 s10, $0x1;
	s10 =	sld [smem:$0x3FB6]  }
0x3d: {  	_ =	shalt  }
0x3e: {  	_ =	shalt  }
0x3f: {  	_ =	shalt  }
0x40: {  	_ =	shalt  }
0x41: {  	_ =	shalt  }
0x42: {  	_ =	shalt  }
0x43: {  	_ =	shalt  }
0x44: {  	_ =	shalt  }
0x45: {  	_ =	shalt  }
0x46: {  	_ =	shalt  }
0x47: {  	_ =	shalt  }
0x48: {  	_ =	shalt  }
0x49: {  	_ =	shalt  }
0x4a: {  	_ =	shalt  }
0x4b: {  	_ =	shalt  }
0x4c: {  	_ =	shalt  }
0x4d: {  	_ =	shalt  }
0x4e: {  	_ =	shalt  }
0x4f: {  	_ =	shalt  }
0x50: {  	_ =	shalt  }
0x51: {  	_ =	shalt  }
0x52: {  	_ =	shalt  }
0x53: {  	_ =	shalt  }
0x54: {  	_ =	shalt  }
0x55: {  	_ =	shalt  }
0x56: {  	_ =	shalt  }
0x57: {  	_ =	shalt  }
0x58: {  	_ =	shalt  }
0x59: {  	_ =	shalt  }
0x5a: {  	_ =	shalt  }
0x5b: {  	_ =	shalt  }
0x5c: {  	_ =	shalt  }
0x5d: {  	_ =	shalt  }
0x5e: {  	_ =	shalt  }
0x5f: {  	_ =	shalt  }
0x60: {  	_ =	shalt  }
0x61: {  	_ =	shalt  }
0x62: {  	_ =	shalt  }
0x63: {  	_ =	shalt  }
0x64: {  	_ =	shalt  }
0x65: {  	_ =	shalt  }
0x66: {  	_ =	shalt  }
0x67: {  	_ =	shalt  }
0x68: {  	_ =	shalt  }
0x69: {  	_ =	shalt  }
0x6a: {  	_ =	shalt  }
0x6b: {  	_ =	shalt  }
0x6c: {  	_ =	shalt  }
0x6d: {  	_ =	shalt  }
0x6e: {  	_ =	shalt  }
0x6f: {  	_ =	shalt  }
0x70: {  	_ =	shalt  }
0x71: {  	_ =	shalt  }
0x72: {  	_ =	shalt  }
0x73: {  	_ =	shalt  }
0x74: {  	_ =	shalt  }
0x75: {  	_ =	shalt  }
0x76: {  	_ =	shalt  }
0x77: {  	_ =	shalt  }
0x78: {  	_ =	shalt  }
0x79: {  	_ =	shalt  }
0x7a: {  	_ =	shalt  }
0x7b: {  	_ =	shalt  }
0x7c: {  	_ =	shalt  }
0x7d: {  	_ =	shalt  }
0x7e: {  	_ =	shalt  }
0x7f: {  	_ =	shalt  }
0x80: {  	_ =	shalt  }
0x81: {  	_ =	shalt  }
0x82: {  	_ =	shalt  }
0x83: {  	_ =	shalt  }
0x84: {  	_ =	shalt  }
0x85: {  	_ =	shalt  }
0x86: {  	_ =	shalt  }
0x87: {  	_ =	shalt  }
.Lfunc_end0:
.L_simem_size_0:
called_computation_lowered:
.L_overlay_start_0:
0x88: {  	s2 =	sld [smem:$0x3FD9]  }
0x89: {  	s3 =	sld [smem:$0x3FFE];
	_ =	sdelay $0x1  }
0x8a: {  	s1 =	srdreg.scid  }
0x8b: {  	s0 =	sand.u32 $0x1, s1  }
0x8c: {  	s17 =	sshll.u32 s0, $0xA;
	s2 =	sadd.s32 s3, s2  }
0x8d: {  	s2 =	sadd.s32 s2, s17  }
0x8e: {  	[smem:$0x3FC2] =	sst s2  }
0x8f: {  	_ = 	snop  }
0x90: {  	s2 =	sld [smem:$0x3FD0];
	(tm) =	ssettm $0x1  }
0x91: {  	s18 =	sld [smem:$0x3FFB];
	_ =	sdelay $0x3  }
0x92: {  	_ =	strace s18  }
0x93: {  	s3 =	sld [smem:$0x3FFC];
	_ =	sdelay $0x3  }
0x94: {  	_ =	strace s3  }
0x95: {  	s3 =	sld [smem:$0x3FFD];
	_ =	sdelay $0x3  }
0x96: {  	_ =	strace s3  }
0x97: {  	_ =	strace $0x8FFFFFFF  }
0x98: {  	s19 =	sld [smem:$0x3FDB];
	_ =	sdelay $0x1  }
0x99: {  	s4 =	simm.s32 $_scs_section_size  }
0x9a: {  	s5 =	simm.s32 $_size__tile_overlayer_lowered;
	s6 =	simm.s32 $_tile_overlayer_lowered  }
0x9b: {  	s22 =	simm.s32 $0x1BFF;
	s21 =	sshll.u32 s6, $0x1;
	s3 =	sadd.s32 s4, s19  }
0x9c: {  	s7 =	simm.s32 $0x0;
	s20 =	sshll.u32 s5, $0x1;
	s5 =	sadd.s32 s21, s3  }
0x9d: {  	[timem:s7], [sflag:s22] =	dma.local [hbm:s5], s20  }
0x9e: {  	_ =	swait.ge [sflag:s22], s20  }
0x9f: {  	s4 =	ssub.s32 $0x0, s20;
	[sflag:s22] =	ssyncset.done $0x0  }
0xa0: {  	[sflag:s22] =	ssyncadd.s32 s4;
	_ =	sdelay $0x1  }
0xa1: {  	s23 =	simm.s32 $0x1B8B  }
0xa2: {  	_ =	swait.ge [sflag:s23], $0x1  }
0xa3: {  	[sflag:s23] =	ssyncset.done $0x0  }
0xa4: {  	s25 =	simm.s32 $0x1B8E;
	s24 =	sld [smem:$0x3FFE];
	[sflag:s23] =	ssyncadd.s32 $0xFFFFFFFF  }
0xa5: {  	s26 =	simm.s32 $execute0_lowered;
	[smem:$0x3FD2] =	sst s25  }
0xa6: {  	s5 =	sshll.u32 s26, $0x1;
	_ =	strace $0x80000046;
	[dreg:$0x1] =	wrdreg $0xFFFFFFFF  }
0xa7: {  	s28 =	simm.s32 $_size_execute0_lowered;
	s3 =	sadd.s32 s3, s5;
	[dreg:$0x0] =	wrdreg $0x0  }
0xa8: {  	s5 =	sshll.u32 s28, $0x1;
	[dreg:$0x2] =	wrdreg s3  }
0xa9: {  	[dreg:$0x3] =	wrdreg s5  }
0xaa: {  	[dreg:$0x4] =	wrdreg $0xC0  }
0xab: {  	_ =	task [dreg:s7], $0x5FFFF  }
0xac: {  	[dreg:$0x1] =	wrdreg $0xFFFFFFFF  }
0xad: {  	[dreg:$0x0] =	wrdreg $0x60  }
0xae: {  	[dreg:$0x2] =	wrdreg s2  }
0xaf: {  	[dreg:$0x3] =	wrdreg s24  }
0xb0: {  	[dreg:$0x4] =	wrdreg $0x1AF800  }
0xb1: {  	[dreg:$0x5] =	wrdreg $0x9  }
0xb2: {  	_ =	task.clear_ibuf [dreg:s7], $0x6FFFF;
	_ =	strace $0x90000046  }
0xb3: {  	s29 =	simm.s32 $0x9;
	_ =	strace $0x8000004A  }
0xb4: {  	_ =	swait.ge [sflag:s29], $0x1  }
0xb5: {  	[sflag:s29] =	ssyncadd.s32 $0xFFFFFFFF  }
0xb6: {  	_ =	strace $0x9000004A  }
0xb7: {  	_ =	sfence  }
0xb8: {  	s30 =	sld [smem:$0x0];
	_ =	sdelay $0x2  }
0xb9: {  	s31 =	sshll.u32 s1, $0xD;
	s1 =	sshrl.u32 s1, $0x2  }
0xba: {  	s3 =	sand.u32 $0x4000, s31;
	s1 =	sadd.s32 s1, s30  }
0xbb: {  	s0 =	sor.u32 s3, s0;
	s1 =	sshll.u32 s1, $0x11  }
0xbc: {  	s0 =	sor.u32 s1, s0  }
0xbd: {  	s0 =	sadd.s32 $0x8F2B, s0  }
0xbe: {  	[sflag:s0] =	ssyncadd.remote.s32 $0x1  }
0xbf: {  	_ =	sfence.sel $0xFFFF  }
0xc0: {  	[dreg:$0x0] =	wrdreg $0xFFFFFFFF;
	(pc) =	sbr.abs _section_cstart, $3  }
0xc1: {  	[dreg:$0x1] =	wrdreg $0xFFFFFFFF  }
0xc2: {  	_ =	task.clear_ibuf [dreg:s7], $0x2FFFF;
	_ =	strace $0x9FFFFFFF  }
0xc3: {  	(tm) =	ssettm $0x7FFFFFFF  }
tec
execute0_lowered:
.L_overlay_start_1:
0x0: {  	(tag) =	ssettag $0x1  }
0x1: {  	s0 =	rddreg [dreg:$0x0];
	s1 =	srdreg.scid  }
0x2: {  	s9 =	stileid.u32;
	s5 =	rddreg [dreg:$0x1]  }
0x3: {  	s2 =	rddreg [dreg:$0x2];
	s3 =	simm.s32 $0x0;
	s11 =	simm.s32 $0x1AF00  }
0x4: {  	s13 =	simm.s32 $0x4;
	s14 =	simm.s32 $0x1;
	s15 =	simm.s32 $0x2  }
0x5: {  	s16 =	simm.s32 $0x3;
	s4 =	sand.u32 $0x1, s1;
	s31 =	sshll.u32 s9, $0x1  }
0x6: {  	s17 =	simm.s32 $0x18780;
	s1 =	rddreg [dreg:$0x3];
	s6 =	sor.u32 s4, s31  }
0x7: {  	s18 =	simm.s32 $0x0;
	[smem:$0x7FF] =	sst s3;
	s6 =	smul.u32 $0x2710, s6  }
0x8: {  	p0 =	sne.s32 s9, $0x0;
	s9 =	simm.s32 $0x13880;
	s7 =	ssub.s32 $0x2, s4  }
0x9: {  	_ =	strace $0x80000047;
	s8 =	sshrl.u32 s7, $0x1;
	s6 =	sshrl.u32 s6, $0x3  }
0xa: {  	s4 =	sadd.s32 $0x14200, s5;
	s8 =	ssub.s32 s7, s8;
	s10 =	sadd.s32 s6, s5  }
0xb: {  	v0 =	vimm.bf16 $1.4450e+00;
	s12 =	sshrl.u32 @!p0 s2, $0x3;
	s8 =	smax.u32 s8, $0x1;
	s5 =	sadd.s32 $0xA440, s10  }
0xc: {  	v1 =	vimm.bf16 $1.0000e+00;
	s6 =	sadd.s32 $0x800, s10;
	s7 =	sadd.s32 $0x14400, s10;
	s10 =	simm.s32 $0x16000  }
.LBB2_1:
0xd: {  	[tilespmem:s9], [sflag:$0x1] =	stream.linear.gather [hbm4b:s5+s3], $0x2710, $0x38;
	[tilespmem:$0x1C308] =	vst v63  }
0xe: {  	_ = 	snop  }
0xf: {  	[tilespmem:s10], [sflag:$0x2] =	stream.linear.gather [hbm4b:s6+s3], $0x2710, $0x38;
	[tilespmem:$0x1C308] =	vst v63  }
0x10: {  	_ = 	snop  }
0x11: {  	[tilespmem:s11], [sflag:$0x3] =	stream.linear.gather [hbm4b:s4+s3], $0x80, $0x38;
	[tilespmem:$0x1C308] =	vst v63  }
0x12: {  	s19 =	simm.s32 @!p0 $0x1C04;
	_ =	strace $0x80000048  }
0x13: {  	[spmem:s12], [sflag:s19] =	dma.local @!p0 [hbm:s0], $0x2710  }
0x14: {  	s19 =	simm.s32 @!p0 $0x4  }
0x15: {  	_ =	swait.ge @!p0 [sflag:s19], $0x2710  }
0x16: {  	[sflag:s19] =	ssyncset.done @!p0 $0x0  }
0x17: {  	[sflag:s19] =	ssyncadd.s32 @!p0 $0xFFFFD8F0  }
0x18: {  	[bflag:$0x0] =	sbarrier.arrive $0xFFFF  }
0x19: {  	[tilespmem:s3], [sflag:$0x4] =	stream.linear.gather [spmem:s2], $0x13880, $0x200038;
	[tilespmem:$0x1C308] =	vst v63  }
0x1a: {  	_ =	swait.ge [sflag:s13], $0x13880  }
0x1b: {  	[sflag:s13] =	ssyncset.done $0x0  }
0x1c: {  	[sflag:s13] =	ssyncadd.s32 $0xFFFEC780  }
0x1d: {  	_ =	strace $0x90000048  }
0x1e: {  	_ =	swait.ge [sflag:s14], $0x2710  }
0x1f: {  	[sflag:s14] =	ssyncset.done $0x0  }
0x20: {  	[sflag:s14] =	ssyncadd.s32 $0xFFFFD8F0  }
0x21: {  	_ =	swait.ge [sflag:s15], $0x2710  }
0x22: {  	[sflag:s15] =	ssyncset.done $0x0  }
0x23: {  	[sflag:s15] =	ssyncadd.s32 $0xFFFFD8F0  }
0x24: {  	_ =	swait.ge [sflag:s16], $0x80  }
0x25: {  	[sflag:s16] =	ssyncset.done $0x0  }
0x26: {  	[sflag:s16] =	ssyncadd.s32 $0xFFFFFF80  }
0x27: {  	s24 =	simm.s32 $0x13890;
	v2 =	vld [tilespmem:$0x1AF00];
	_ =	strace $0x80000049  }
0x28: {  	v3 =	vld [tilespmem:s24+$0x0]  }
0x29: {  	s20 =	simm.s32 $0x16010;
	v5 =	vld [tilespmem:s24+$0xFFFFFFF0]  }
0x2a: {  	v4 =	vld [tilespmem:s20+$0x0];
	_ =	sdelay $0x2  }
0x2b: {  	v6 =	vld [tilespmem:s20+$0xFFFFFFF0];
	v3 =	vshll.u32 v3, $0x3  }
0x2c: {  	v5 =	vshll.u32 v5, $0x3  }
0x2d: {  	s25 =	simm.s32 $0x138B0;
	v4 =	vshll.u32 v4, $0x3;
	v7 =	vor.u32 $0x2, v3  }
0x2e: {  	s26 =	simm.s32 $0x16030;
	v18 =	vld [tilespmem:s25+$0x0];
	v8 =	vor.u32 $0x4, v4  }
0x2f: {  	v19 =	vld [tilespmem:s26+$0x0];
	v9 =	vor.u32 $0x3, v3  }
0x30: {  	v6 =	vshll.u32 v6, $0x3;
	v10 =	vor.u32 $0x5, v4;
	v12 =	vld.idx.msk [tilespmem:v3+s3+$0x0], $0xffff  }
0x31: {  	v15 =	vor.u32 $0x4, v6;
	v17 =	vld.idx.msk [tilespmem:v5+s3+$0x0], $0xffff  }
0x32: {  	v11 =	vor.u32 $0x6, v4;
	v7 =	vld.idx.msk [tilespmem:v7+s3+$0x0], $0xffff  }
0x33: {  	v4 =	vor.u32 $0x7, v4;
	v8 =	vld.idx.msk [tilespmem:v8+s3+$0x0], $0xffff  }
0x34: {  	v3 =	vor.u32 $0x1, v3;
	v9 =	vld.idx.msk [tilespmem:v9+s3+$0x0], $0xffff  }
0x35: {  	v13 =	vor.u32 $0x1, v5;
	v10 =	vld.idx.msk [tilespmem:v10+s3+$0x0], $0xffff  }
0x36: {  	v14 =	vor.u32 $0x6, v6;
	v15 =	vld.idx.msk [tilespmem:v15+s3+$0x0], $0xffff  }
0x37: {  	v11 =	vld.idx.msk [tilespmem:v11+s3+$0x0], $0xffff  }
0x38: {  	v20 =	vor.u32 $0x3, v5;
	v5 =	vor.u32 $0x2, v5;
	v4 =	vld.idx.msk [tilespmem:v4+s3+$0x0], $0xffff  }
0x39: {  	v16 =	vor.u32 $0x5, v6;
	v3 =	vld.idx.msk [tilespmem:v3+s3+$0x0], $0xffff  }
0x3a: {  	v13 =	vld.idx.msk [tilespmem:v13+s3+$0x0], $0xffff  }
0x3b: {  	v6 =	vor.u32 $0x7, v6;
	v14 =	vld.idx.msk [tilespmem:v14+s3+$0x0], $0xffff;
	v15 =	vadd.bf16 v15, v17  }
0x3c: {  	v19 =	vshll.u32 v19, $0x3;
	v8 =	vadd.bf16 v8, v12;
	v12 =	vld [tilespmem:s25+$0xFFFFFFF0]  }
0x3d: {  	v4 =	vadd.bf16 v4, v9;
	v9 =	vld.idx.msk [tilespmem:v5+s3+$0x0], $0xffff;
	v5 =	vmul.bf16 v0, v15;
	v15 =	vor.u32 $0x6, v19  }
0x3e: {  	v3 =	vadd.bf16 v10, v3;
	v10 =	vld.idx.msk [tilespmem:v16+s3+$0x0], $0xffff;
	v16 =	vshll.u32 v18, $0x3  }
0x3f: {  	v20 =	vld.idx.msk [tilespmem:v20+s3+$0x0], $0xffff;
	v21 =	vor.u32 $0x2, v16  }
0x40: {  	v7 =	vadd.bf16 v11, v7;
	v11 =	vld.idx.msk [tilespmem:v6+s3+$0x0], $0xffff;
	v6 =	vor.u32 $0x3, v16  }
0x41: {  	v18 =	vld [tilespmem:s26+$0xFFFFFFF0];
	v12 =	vshll.u32 v12, $0x3  }
0x42: {  	v3 =	vmul.bf16 v0, v3;
	v22 =	vor.u32 $0x1, v12;
	v15 =	vld.idx.msk [tilespmem:v15+s3+$0x0], $0xffff  }
0x43: {  	v25 =	vor.u32 $0x3, v12;
	v17 =	vld.idx.msk [tilespmem:v16+s3+$0x0], $0xffff  }
0x44: {  	(erf) = vpow2.bf16 v3;
	v3 =	vor.u32 $0x4, v19;
	v21 =	vld.idx.msk [tilespmem:v21+s3+$0x0], $0xffff  }
0x45: {  	v8 =	vmul.bf16 v0, v8;
	v16 =	vor.u32 $0x1, v16;
	v24 =	vld.idx.msk [tilespmem:v6+s3+$0x0], $0xffff  }
0x46: {  	v10 =	vadd.bf16 v10, v13;
	v13 =	vor.u32 $0x7, v19;
	v28 =	vld.idx.msk [tilespmem:v12+s3+$0x0], $0xffff  }
0x47: {  	v18 =	vshll.u32 v18, $0x3;
	(erf) = vpow2.bf16 v8;
	v8 =	vor.u32 $0x5, v19;
	v22 =	vld.idx.msk [tilespmem:v22+s3+$0x0], $0xffff  }
0x48: {  	v11 =	vadd.bf16 v11, v20;
	v26 =	vor.u32 $0x4, v18;
	v20 =	vld.idx.msk [tilespmem:v25+s3+$0x0], $0xffff  }
0x49: {  	v23 =	vld.idx.msk [tilespmem:v3+s3+$0x0], $0xffff  }
0x4a: {  	v4 =	vmul.bf16 v0, v4;
	v12 =	vor.u32 $0x2, v12;
	v16 =	vld.idx.msk [tilespmem:v16+s3+$0x0], $0xffff  }
0x4b: {  	v9 =	vadd.bf16 v14, v9;
	(erf) = vpow2.bf16 v5;
	v5 =	vor.u32 $0x6, v18;
	v13 =	vld.idx.msk [tilespmem:v13+s3+$0x0], $0xffff  }
0x4c: {  	v11 =	vmul.bf16 v0, v11;
	v3 =	vmul.bf16 v0, v7;
	v7 =	vor.u32 $0x5, v18;
	v8 =	vld.idx.msk [tilespmem:v8+s3+$0x0], $0xffff  }
0x4d: {  	s29 =	simm.s32 $0x16050;
	v9 =	vmul.bf16 v0, v9;
	v18 =	vor.u32 $0x7, v18;
	(erf) = vpow2.bf16 v4;
	v25 =	vld.idx.msk [tilespmem:v26+s3+$0x0], $0xffff  }
0x4e: {  	v6 =	vbroadcast v2, $0x3;
	v10 =	vmul.bf16 v0, v10;
	v26 =	vld [tilespmem:s29+$0x0]  }
0x4f: {  	v4 =	vbroadcast v2, $0x1;
	v12 =	vld.idx.msk [tilespmem:v12+s3+$0x0], $0xffff;
	(erf) = vpow2.bf16 v3  }
0x50: {  	v15 =	vadd.bf16 v15, v21;
	v3 =	vbroadcast v2, $0x0;
	v27 =	vld.idx.msk [tilespmem:v5+s3+$0x0], $0xffff;
	v5 =	vbroadcast v2, $0x2  }
0x51: {  	v2 =	vbroadcast v2, $0x4;
	v7 =	vld.idx.msk [tilespmem:v7+s3+$0x0], $0xffff;
	(erf) = vpow2.bf16 v10  }
0x52: {  	v15 =	vmul.bf16 v0, v15;
	v19 =	vpop (erf);
	v17 =	vadd.bf16 v23, v17;
	v18 =	vld.idx.msk [tilespmem:v18+s3+$0x0], $0xffff;
	v13 =	vadd.bf16 v13, v24  }
0x53: {  	v19 =	vadd.bf16 v1, v19;
	v14 =	vpop (erf);
	v8 =	vadd.bf16 v8, v16;
	(erf) = vpow2.bf16 v11  }
0x54: {  	v11 =	vmul.bf16 v0, v17;
	v14 =	vadd.bf16 v1, v14;
	v13 =	vmul.bf16 v0, v13  }
0x55: {  	s28 =	simm.s32 $0x138D0;
	(erf) = vpow2.bf16 v9;
	v9 =	vadd.bf16 v25, v28;
	v8 =	vmul.bf16 v0, v8  }
0x56: {  	v24 =	vld [tilespmem:s28+$0xFFFFFFF0];
	v25 =	vshll.u32 v26, $0x3;
	v12 =	vadd.bf16 v27, v12;
	v7 =	vadd.bf16 v7, v22  }
0x57: {  	v10 =	vpop (erf);
	v22 =	vmul.bf16 v3, v19;
	v19 =	vmul.bf16 v19, v14;
	v18 =	vadd.bf16 v18, v20  }
0x58: {  	v14 =	vmul.bf16 v4, v14;
	v27 =	vor.u32 $0x4, v25;
	v21 =	vpop (erf);
	(erf) = vpow2.bf16 v8;
	v8 =	vld [tilespmem:s29+$0xFFFFFFF0]  }
0x59: {  	v10 =	vadd.bf16 v1, v10;
	v29 =	vor.u32 $0x5, v25;
	v16 =	vadd.bf16 v1, v21;
	v21 =	vld [tilespmem:s28+$0x0]  }
0x5a: {  	v31 =	vor.u32 $0x6, v25;
	v25 =	vor.u32 $0x7, v25;
	v9 =	vmul.bf16 v0, v9  }
0x5b: {  	v24 =	vshll.u32 v24, $0x3;
	v12 =	vmul.bf16 v0, v12;
	v17 =	vpop (erf);
	(erf) = vpow2.bf16 v11  }
0x5c: {  	v7 =	vmul.bf16 v0, v7;
	v35 =	vor.u32 $0x3, v24;
	v18 =	vmul.bf16 v0, v18  }
0x5d: {  	s31 =	simm.s32 $0x16070;
	v14 =	vadd.bf16 v22, v14;
	v17 =	vadd.bf16 v1, v17;
	(erf) = vpow2.bf16 v9  }
0x5e: {  	v22 =	vld [tilespmem:s31+$0x0];
	v23 =	vmul.bf16 v5, v16;
	v28 =	vpop (erf);
	v8 =	vshll.u32 v8, $0x3;
	v21 =	vshll.u32 v21, $0x3  }
0x5f: {  	v27 =	vld.idx.msk [tilespmem:v27+s3+$0x0], $0xffff;
	v28 =	vadd.bf16 v1, v28;
	v30 =	vpop (erf);
	(erf) = vpow2.bf16 v13;
	v36 =	vor.u32 $0x4, v8  }
0x60: {  	v31 =	vld.idx.msk [tilespmem:v31+s3+$0x0], $0xffff;
	v26 =	vor.u32 $0x2, v21;
	v11 =	vor.u32 $0x3, v21;
	v9 =	vadd.bf16 v1, v30  }
0x61: {  	v25 =	vld.idx.msk [tilespmem:v25+s3+$0x0], $0xffff;
	v30 =	vor.u32 $0x1, v24;
	v34 =	vmul.bf16 v28, v10;
	v13 =	vpop (erf);
	(erf) = vpow2.bf16 v15  }
0x62: {  	v15 =	vmul.bf16 v3, v28;
	v28 =	vor.u32 $0x2, v24;
	v24 =	vld.idx.msk [tilespmem:v24+s3+$0x0], $0xffff;
	v13 =	vadd.bf16 v1, v13  }
0x63: {  	v16 =	vmul.bf16 v16, v17;
	v17 =	vmul.bf16 v6, v17;
	v33 =	vor.u32 $0x5, v8;
	v32 =	vld.idx.msk [tilespmem:v21+s3+$0x0], $0xffff  }
0x64: {  	v38 =	vor.u32 $0x7, v8;
	v10 =	vmul.bf16 v4, v10;
	v37 =	vmul.bf16 v9, v13;
	v53 =	vld.idx.msk [tilespmem:v36+s3+$0x0], $0xffff  }
0x65: {  	v21 =	vor.u32 $0x1, v21;
	v9 =	vmul.bf16 v5, v9;
	v13 =	vmul.bf16 v6, v13;
	v26 =	vld.idx.msk [tilespmem:v26+s3+$0x0], $0xffff  }
0x66: {  	v8 =	vor.u32 $0x6, v8;
	v22 =	vshll.u32 v22, $0x3;
	v17 =	vadd.bf16 v23, v17;
	v11 =	vld.idx.msk [tilespmem:v11+s3+$0x0], $0xffff  }
0x67: {  	v20 =	vmul.bf16 v16, v19;
	v10 =	vadd.bf16 v15, v10;
	v9 =	vadd.bf16 v9, v13  }
0x68: {  	v29 =	vld.idx.msk [tilespmem:v29+s3+$0x0], $0xffff;
	v55 =	vor.u32 $0x6, v22;
	(erf) = vpow2.bf16 v7;
	v15 =	vmul.bf16 v37, v34  }
0x69: {  	v33 =	vld.idx.msk [tilespmem:v33+s3+$0x0], $0xffff;
	v10 =	vmul.bf16 v37, v10;
	v9 =	vmul.bf16 v9, v34;
	v27 =	vadd.bf16 v27, v32  }
0x6a: {  	v7 =	vld.idx.msk [tilespmem:v21+s3+$0x0], $0xffff;
	v21 =	vpop (erf);
	(erf) = vrcp.bf16 v15;
	v24 =	vadd.bf16 v53, v24;
	v26 =	vadd.bf16 v31, v26  }
0x6b: {  	v56 =	vor.u32 $0x7, v22;
	v30 =	vld.idx.msk [tilespmem:v30+s3+$0x0], $0xffff;
	v21 =	vadd.bf16 v1, v21;
	v11 =	vadd.bf16 v25, v11  }
0x6c: {  	v23 =	vld.idx.msk [tilespmem:v35+s3+$0x0], $0xffff;
	v13 =	vpop (erf);
	v9 =	vadd.bf16 v9, v10;
	(erf) = vpow2.bf16 v18;
	v18 =	vmul.bf16 v17, v19  }
0x6d: {  	v15 =	vpop (erf);
	v31 =	vadd.bf16 v1, v13;
	v17 =	vld.idx.msk [tilespmem:v38+s3+$0x0], $0xffff;
	v27 =	vmul.bf16 v0, v27;
	v24 =	vmul.bf16 v0, v24  }
0x6e: {  	v8 =	vld.idx.msk [tilespmem:v8+s3+$0x0], $0xffff;
	v13 =	vpop (erf);
	v25 =	vmul.bf16 v0, v26;
	v11 =	vmul.bf16 v0, v11;
	v15 =	vadd.bf16 v1, v15  }
0x6f: {  	(erf) = vpow2.bf16 v12;
	v12 =	vld.idx.msk [tilespmem:v28+s3+$0x0], $0xffff;
	v19 =	vadd.bf16 v29, v7;
	v7 =	vadd.bf16 v1, v13  }
0x70: {  	v29 =	vadd.bf16 v33, v30;
	v13 =	vmul.bf16 v3, v21;
	v30 =	vpop (erf);
	v21 =	vmul.bf16 v21, v31  }
0x71: {  	s30 =	simm.s32 $0x138F0;
	v30 =	vadd.bf16 v1, v30;
	(erf) = vrcp.bf16 v20;
	v54 =	vmul.bf16 v5, v7  }
0x72: {  	v28 =	vmul.bf16 v0, v29;
	v20 =	vadd.bf16 v17, v23;
	v19 =	vmul.bf16 v0, v19;
	v23 =	vld [tilespmem:s30+$0x0]  }
0x73: {  	v17 =	vmul.bf16 v4, v31;
	v31 =	vor.u32 $0x4, v22;
	v22 =	vor.u32 $0x5, v22  }
0x74: {  	v29 =	vpop (erf);
	(erf) = vpow2.bf16 v19;
	v8 =	vadd.bf16 v8, v12;
	v12 =	vmul.bf16 v16, v14  }
0x75: {  	v7 =	vmul.bf16 v7, v30;
	v14 =	vmul.bf16 v6, v30;
	v19 =	vld [tilespmem:s31+$0xFFFFFFF0];
	v10 =	vpop (erf);
	v29 =	vadd.bf16 v1, v29  }
0x76: {  	v9 =	vmul.bf16 v9, v10;
	v12 =	vadd.bf16 v18, v12;
	(erf) = vpow2.bf16 v27  }
0x77: {  	v16 =	vpop (erf);
	v18 =	vshll.u32 v23, $0x3;
	v57 =	vmul.bf16 v29, v15;
	v29 =	vmul.bf16 v3, v29  }
0x78: {  	v15 =	vmul.bf16 v4, v15;
	v16 =	vadd.bf16 v1, v16;
	v23 =	vunpack.i.l.bf16.f32 v9  }
0x79: {  	v10 =	vld [tilespmem:s30+$0xFFFFFFF0];
	v30 =	vor.u32 $0x2, v18;
	v27 =	vor.u32 $0x3, v18;
	(erf) = vpow2.bf16 v24  }
0x7a: {  	v9 =	vunpack.i.u.bf16.f32 v9;
	v19 =	vshll.u32 v19, $0x3;
	v15 =	vadd.bf16 v29, v15  }
0x7b: {  	v60 =	vpop (erf);
	v9 =	vadd.f32 v23, v9;
	v29 =	vmul.bf16 v0, v20;
	v24 =	vor.u32 $0x4, v19  }
0x7c: {  	v42 =	vor.u32 $0x6, v19;
	v43 =	vmul.bf16 v5, v16;
	v44 =	vor.u32 $0x5, v19;
	v41 =	vpop (erf)  }
0x7d: {  	v31 =	vld.idx.msk [tilespmem:v31+s3+$0x0], $0xffff;
	v45 =	vor.u32 $0x7, v19;
	(erf) = vpow2.bf16 v11;
	v12 =	vmul.bf16 v12, v41  }
0x7e: {  	v11 =	vor.u32 $0x1, v18;
	v10 =	vshll.u32 v10, $0x3;
	v39 =	vld.idx.msk [tilespmem:v18+s3+$0x0], $0xffff;
	v18 =	vadd.bf16 v1, v60  }
0x7f: {  	v9 =	vadd.f32 v9, v2;
	(erf) = vpow2.bf16 v25;
	v25 =	vld.idx.msk [tilespmem:v55+s3+$0x0], $0xffff;
	v19 =	vunpack.i.u.bf16.f32 v12  }
0x80: {  	v30 =	vld.idx.msk [tilespmem:v30+s3+$0x0], $0xffff;
	v12 =	vunpack.i.l.bf16.f32 v12;
	v16 =	vmul.bf16 v16, v18;
	v18 =	vmul.bf16 v6, v18  }
0x81: {  	v22 =	vld.idx.msk [tilespmem:v22+s3+$0x0], $0xffff;
	v58 =	vor.u32 $0x1, v10;
	v40 =	vor.u32 $0x3, v10;
	v12 =	vadd.f32 v12, v19  }
0x82: {  	v27 =	vld.idx.msk [tilespmem:v27+s3+$0x0], $0xffff;
	(erf) = vpow2.bf16 v28;
	v20 =	vmul.bf16 v16, v57;
	v18 =	vadd.bf16 v43, v18  }
0x83: {  	v14 =	vadd.bf16 v54, v14;
	v9 =	vmul.f32 $1.442695020e+00, v9;
	v28 =	vld.idx.msk [tilespmem:v44+s3+$0x0], $0xffff;
	v12 =	vadd.f32 v12, v2  }
0x84: {  	v59 =	vor.u32 $0x2, v10;
	v11 =	vld.idx.msk [tilespmem:v11+s3+$0x0], $0xffff;
	v19 =	vmul.bf16 v16, v15;
	v15 =	vpop (erf);
	(erf) = vrcp.bf16 v20  }
0x85: {  	v16 =	vld.idx.msk [tilespmem:v10+s3+$0x0], $0xffff;
	v10 =	vpop (erf);
	v33 =	vadd.bf16 v25, v30;
	v25 =	vmul.bf16 v18, v57;
	v12 =	vmul.f32 $1.442695020e+00, v12  }
0x86: {  	v23 =	vld.idx.msk [tilespmem:v58+s3+$0x0], $0xffff;
	v62 =	vadd.bf16 v1, v15;
	v20 =	vmul.bf16 v14, v21;
	v18 =	vpop (erf);
	(erf) = vpow2.f32 v9  }
0x87: {  	v61 =	vld.idx.msk [tilespmem:v40+s3+$0x0], $0xffff;
	v14 =	vadd.bf16 v31, v39;
	v31 =	vadd.bf16 v1, v10;
	v10 =	vpop (erf);
	(erf) = vpow2.f32 v12  }
0x88: {  	v8 =	vmul.bf16 v0, v8;
	v30 =	vld.idx.msk [tilespmem:v24+s3+$0x0], $0xffff;
	(erf) = vpow2.bf16 v29  }
0x89: {  	v26 =	vmul.bf16 v7, v21;
	v15 =	vmul.bf16 v3, v62;
	v9 =	vld.idx.msk [tilespmem:v56+s3+$0x0], $0xffff;
	v63 =	vadd.bf16 v22, v11  }
0x8a: {  	v24 =	vmul.bf16 v0, v14;
	v12 =	vld.idx.msk [tilespmem:v45+s3+$0x0], $0xffff;
	v22 =	vadd.bf16 v1, v10;
	v10 =	vpop (erf);
	(erf) = vpow2.bf16 v8  }
0x8b: {  	v14 =	vld.idx.msk [tilespmem:v42+s3+$0x0], $0xffff;
	v11 =	vadd.bf16 v28, v23;
	v23 =	vmul.bf16 v4, v31;
	v21 =	vadd.bf16 v1, v10  }
0x8c: {  	v13 =	vadd.bf16 v13, v17;
	v10 =	vmul.bf16 v5, v22;
	(erf) = vrcp.bf16 v26;
	v26 =	vld.idx.msk [tilespmem:v59+s3+$0x0], $0xffff  }
0x8d: {  	v29 =	vadd.bf16 v30, v16;
	v8 =	vmul.bf16 v62, v31;
	v22 =	vmul.bf16 v22, v21  }
0x8e: {  	s22 =	simm.s32 $0x60;
	s23 =	simm.s32 $0x16090;
	s21 =	simm.s32 $0x187B0;
	v30 =	vmul.bf16 v0, v63;
	v16 =	vmul.bf16 v0, v33;
	v28 =	vadd.bf16 v9, v27;
	v27 =	vpop (erf)  }
0x8f: {  	s19 =	simm.s32 $0x187B0;
	s20 =	simm.s32 $0x18790;
	s24 =	simm.s32 $0x13910;
	v11 =	vmul.bf16 v0, v11;
	v12 =	vadd.bf16 v12, v61;
	v9 =	vmul.bf16 v22, v8;
	v17 =	vpop (erf)  }
.LBB2_2:
0x90: {  	v31 =	vld [tilespmem:s24+$0x0];
	s22 =	sadd.s32 $0x20, s22;
	v29 =	vmul.bf16 v0, v29;
	(erf) = vpow2.bf16 v30;
	v19 =	vadd.bf16 v25, v19;
	s19 =	sadd.s32 $0x20, s19;
	v25 =	vpop (erf)  }
0x91: {  	v14 =	vadd.bf16 v14, v26;
	v26 =	vmul.bf16 v0, v28;
	v30 =	vld [tilespmem:s23+$0x0];
	p1 =	slt.u32 s22, $0x26E0;
	v25 =	vadd.f32 $1.000000000e+00, v25;
	v28 =	vpop (erf)  }
0x92: {  	v21 =	vmul.bf16 v6, v21;
	v33 =	vmul.bf16 v7, v13;
	v13 =	vmovc v15;
	v7 =	vmovc v22;
	v32 =	vld [tilespmem:s23+$0xFFFFFFF0];
	v28 =	vadd.f32 $1.000000000e+00, v28  }
0x93: {  	v15 =	vadd.bf16 v1, v18;
	v19 =	vmul.bf16 v19, v17;
	v18 =	vpop (erf);
	(erf) = vrcp.f32 v25  }
0x94: {  	v17 =	vmovc v23;
	v20 =	vadd.bf16 v20, v33;
	v22 =	vld [tilespmem:s24+$0xFFFFFFF0];
	v18 =	vadd.bf16 v1, v18;
	(erf) = vrcp.f32 v28  }
0x95: {  	v28 =	vmul.bf16 v0, v14;
	v25 =	vunpack.i.l.bf16.f32 v19;
	v23 =	vshll.u32 v31, $0x3;
	v14 =	vpop (erf)  }
0x96: {  	v27 =	vadd.bf16 v1, v27;
	v30 =	vshll.u32 v30, $0x3;
	v31 =	vor.u32 $0x2, v23  }
0x97: {  	v33 =	vor.u32 $0x4, v30;
	v34 =	vor.u32 $0x6, v30;
	(erf) = vpow2.bf16 v24;
	v24 =	vpop (erf)  }
0x98: {  	v37 =	vmul.bf16 v27, v15;
	v35 =	vor.u32 $0x3, v23;
	v36 =	vor.u32 $0x7, v30  }
0x99: {  	v27 =	vmul.bf16 v3, v27;
	v30 =	vor.u32 $0x5, v30;
	v22 =	vshll.u32 v22, $0x3  }
0x9a: {  	v15 =	vmul.bf16 v4, v15;
	v38 =	vor.u32 $0x1, v22;
	v39 =	vor.u32 $0x2, v22;
	v40 =	vld.idx.msk [tilespmem:v23+s3+$0x0], $0xffff;
	v41 =	vpop (erf)  }
0x9b: {  	v32 =	vshll.u32 v32, $0x3;
	v42 =	vor.u32 $0x3, v22;
	v31 =	vld.idx.msk [tilespmem:v31+s3+$0x0], $0xffff;
	(erf) = vpow2.bf16 v29  }
0x9c: {  	v44 =	vmul.bf16 v5, v18;
	v43 =	vor.u32 $0x6, v32;
	v29 =	vor.u32 $0x4, v32;
	v33 =	vld.idx.msk [tilespmem:v33+s3+$0x0], $0xffff;
	v45 =	vpop (erf)  }
0x9d: {  	v46 =	vor.u32 $0x5, v32;
	v20 =	vmul.bf16 v20, v24;
	v32 =	vor.u32 $0x7, v32;
	v35 =	vld.idx.msk [tilespmem:v35+s3+$0x0], $0xffff;
	[tilespmem:s20+$0xFFFFFFF0] =	vst v45;
	v24 =	vpop (erf)  }
0x9e: {  	v15 =	vadd.bf16 v27, v15;
	v23 =	vor.u32 $0x1, v23;
	v30 =	vld.idx.msk [tilespmem:v30+s3+$0x0], $0xffff;
	(erf) = vpow2.bf16 v26;
	[tilespmem:s20+$0x0] =	vst v24;
	s20 =	smov.u32 s21;
	s21 =	smov.u32 s19  }
0x9f: {  	v26 =	vadd.bf16 v1, v14;
	v14 =	vunpack.i.u.bf16.f32 v19;
	v19 =	vunpack.i.u.bf16.f32 v20;
	v24 =	vld.idx.msk [tilespmem:v34+s3+$0x0], $0xffff  }
0xa0: {  	v20 =	vunpack.i.l.bf16.f32 v20;
	v27 =	vld.idx.msk [tilespmem:v38+s3+$0x0], $0xffff;
	(erf) = vpow2.bf16 v16;
	v16 =	vadd.f32 v25, v14  }
0xa1: {  	v19 =	vadd.f32 v20, v19;
	v25 =	vmul.bf16 v6, v26;
	v18 =	vmul.bf16 v18, v26;
	v14 =	vld.idx.msk [tilespmem:v43+s3+$0x0], $0xffff;
	v34 =	vpop (erf)  }
0xa2: {  	v10 =	vadd.bf16 v10, v21;
	v38 =	vld.idx.msk [tilespmem:v46+s3+$0x0], $0xffff;
	(erf) = vpow2.bf16 v11;
	v11 =	vadd.f32 v16, v2  }
0xa3: {  	v12 =	vmul.bf16 v0, v12;
	v21 =	vadd.f32 v19, v2;
	v20 =	vmul.bf16 v18, v37;
	v16 =	vld.idx.msk [tilespmem:v23+s3+$0x0], $0xffff  }
0xa4: {  	v19 =	vmul.bf16 v18, v15;
	v23 =	vadd.bf16 v44, v25;
	v22 =	vld.idx.msk [tilespmem:v22+s3+$0x0], $0xffff;
	v11 =	vmul.f32 $1.442695020e+00, v11  }
0xa5: {  	v15 =	vmul.f32 $1.442695020e+00, v21;
	v42 =	vld.idx.msk [tilespmem:v42+s3+$0x0], $0xffff;
	v18 =	vpop (erf);
	(erf) = vrcp.bf16 v20  }
0xa6: {  	v41 =	vadd.bf16 v1, v41;
	v31 =	vadd.bf16 v24, v31;
	v25 =	vmul.bf16 v23, v37;
	v29 =	vld.idx.msk [tilespmem:v29+s3+$0x0], $0xffff  }
0xa7: {  	v20 =	vmul.bf16 v10, v8;
	v23 =	vld.idx.msk [tilespmem:v36+s3+$0x0], $0xffff;
	(erf) = vpow2.f32 v11  }
0xa8: {  	v21 =	vadd.bf16 v33, v40;
	v33 =	vadd.bf16 v1, v34;
	v32 =	vld.idx.msk [tilespmem:v32+s3+$0x0], $0xffff;
	v10 =	vpop (erf);
	(erf) = vpow2.f32 v15  }
0xa9: {  	v16 =	vadd.bf16 v30, v16;
	v26 =	vld.idx.msk [tilespmem:v39+s3+$0x0], $0xffff;
	v30 =	vadd.bf16 v1, v10;
	(erf) = vpow2.bf16 v12  }
0xaa: {  	v24 =	vmul.bf16 v0, v21;
	v11 =	vadd.bf16 v38, v27;
	v15 =	vmul.bf16 v3, v41;
	v8 =	vpop (erf)  }
.Ltmp0:
0xab: {  	v21 =	vadd.bf16 v1, v8;
	v10 =	vmul.bf16 v5, v30;
	(erf) = vpow2.bf16 v28;
	(pc) =	sbr.rel @p1 .LBB2_2-.Ltmp0, $4  }
0xac: {  	v11 =	vmul.bf16 v0, v11;
	v29 =	vadd.bf16 v29, v22;
	v8 =	vmul.bf16 v41, v33;
	v27 =	vpop (erf)  }
0xad: {  	v28 =	vadd.bf16 v23, v35;
	v22 =	vmul.bf16 v30, v21;
	(erf) = vrcp.bf16 v9  }
0xae: {  	v23 =	vmul.bf16 v4, v33;
	v12 =	vadd.bf16 v32, v42;
	v30 =	vmul.bf16 v0, v16  }
0xaf: {  	s23 =	sadd.s32 $0x20, s23;
	v13 =	vadd.bf16 v13, v17;
	s24 =	sadd.s32 $0x20, s24;
	v16 =	vmul.bf16 v0, v31;
	v9 =	vmul.bf16 v22, v8;
	v17 =	vpop (erf)  }
0xb0: {  	v31 =	vpop (erf)  }
0xb1: {  	(erf) = vpow2.bf16 v30;
	v53 =	vadd.f32 $1.000000000e+00, v31;
	v54 =	vpop (erf)  }
0xb2: {  	v31 =	vadd.f32 $1.000000000e+00, v54  }
0xb3: {  	(erf) = vrcp.f32 v53  }
0xb4: {  	v29 =	vmul.bf16 v0, v29;
	v55 =	vadd.bf16 v25, v19;
	(erf) = vrcp.f32 v31  }
0xb5: {  	v7 =	vmul.bf16 v7, v13;
	(erf) = vpow2.bf16 v24  }
0xb6: {  	v57 =	vmul.bf16 v0, v28;
	v18 =	vadd.bf16 v1, v18;
	v13 =	vmul.bf16 v55, v17;
	v56 =	vpop (erf)  }
0xb7: {  	v59 =	vadd.bf16 v1, v27;
	v7 =	vadd.bf16 v20, v7;
	v58 =	vpop (erf);
	(erf) = vpow2.bf16 v29  }
0xb8: {  	v19 =	vadd.bf16 v1, v56;
	v61 =	vunpack.i.l.bf16.f32 v13;
	v20 =	vadd.bf16 v1, v58;
	v60 =	vpop (erf)  }
0xb9: {  	v13 =	vunpack.i.u.bf16.f32 v13;
	v7 =	vmul.bf16 v7, v60;
	(erf) = vpow2.bf16 v57  }
0xba: {  	v62 =	vmul.bf16 v59, v18;
	v13 =	vadd.f32 v61, v13;
	v30 =	vmul.bf16 v19, v20  }
0xbb: {  	v63 =	vunpack.i.u.bf16.f32 v7;
	v7 =	vunpack.i.l.bf16.f32 v7;
	(erf) = vpow2.bf16 v16  }
0xbc: {  	v7 =	vadd.f32 v7, v63  }
0xbd: {  	v31 =	vadd.f32 v13, v2;
	v32 =	vmul.bf16 v30, v62;
	(erf) = vpow2.bf16 v11  }
0xbe: {  	v7 =	vadd.f32 v7, v2  }
0xbf: {  	v11 =	vmul.f32 $1.442695020e+00, v31;
	(erf) = vrcp.bf16 v32  }
0xc0: {  	v7 =	vmul.f32 $1.442695020e+00, v7  }
0xc1: {  	v33 =	vadd.bf16 v14, v26;
	v12 =	vmul.bf16 v0, v12;
	(erf) = vpow2.f32 v11  }
0xc2: {  	(erf) = vpow2.f32 v7  }
0xc3: {  	v34 =	vmul.bf16 v0, v33;
	(erf) = vpow2.bf16 v12  }
0xc4: {  	v35 =	vpop (erf)  }
0xc5: {  	v38 =	vmul.bf16 v3, v59;
	v12 =	vpop (erf);
	(erf) = vpow2.bf16 v34  }
0xc6: {  	v39 =	vmul.bf16 v4, v18;
	v19 =	vmul.bf16 v5, v19;
	v7 =	vpop (erf)  }
0xc7: {  	v20 =	vmul.bf16 v6, v20;
	v36 =	vpop (erf);
	(erf) = vrcp.bf16 v9  }
0xc8: {  	v21 =	vmul.bf16 v6, v21;
	v37 =	vpop (erf)  }
0xc9: {  	v14 =	vadd.bf16 v38, v39;
	v43 =	vadd.bf16 v19, v20;
	v40 =	vpop (erf)  }
0xca: {  	v15 =	vadd.bf16 v15, v23;
	v10 =	vadd.bf16 v10, v21;
	v41 =	vpop (erf)  }
0xcb: {  	v14 =	vmul.bf16 v30, v14;
	v45 =	vmul.bf16 v43, v62;
	v42 =	vpop (erf)  }
0xcc: {  	v15 =	vmul.bf16 v22, v15;
	v8 =	vmul.bf16 v10, v8;
	v44 =	vpop (erf)  }
0xcd: {  	v14 =	vadd.bf16 v45, v14;
	v46 =	vpop (erf)  }
0xce: {  	v8 =	vadd.bf16 v8, v15;
	v11 =	vadd.bf16 v1, v35;
	v47 =	vpop (erf)  }
0xcf: {  	v13 =	vadd.bf16 v1, v36;
	v9 =	vadd.bf16 v1, v37;
	v14 =	vmul.bf16 v14, v44;
	v48 =	vpop (erf)  }
0xd0: {  	v18 =	vadd.bf16 v1, v40;
	v50 =	vadd.bf16 v1, v41;
	v49 =	vpop (erf)  }
0xd1: {  	v52 =	vadd.bf16 v1, v42;
	v53 =	vunpack.i.l.bf16.f32 v14;
	v14 =	vunpack.i.u.bf16.f32 v14;
	v51 =	vpop (erf)  }
0xd2: {  	v16 =	vadd.bf16 v1, v48;
	v15 =	vadd.bf16 v1, v49;
	v8 =	vmul.bf16 v8, v51  }
0xd3: {  	v17 =	vadd.f32 $1.000000000e+00, v46;
	v54 =	vmul.bf16 v52, v9;
	v14 =	vadd.f32 v53, v14  }
0xd4: {  	v56 =	vmul.bf16 v16, v15;
	v55 =	vunpack.i.u.bf16.f32 v8;
	v8 =	vunpack.i.l.bf16.f32 v8  }
0xd5: {  	v57 =	vmul.bf16 v11, v13;
	v10 =	vadd.f32 $1.000000000e+00, v47;
	v8 =	vadd.f32 v8, v55  }
0xd6: {  	(erf) = vrcp.f32 v17;
	v14 =	vadd.f32 v14, v2;
	v58 =	vmul.bf16 v56, v54  }
0xd7: {  	v59 =	vmul.bf16 v18, v50;
	(erf) = vrcp.f32 v10;
	v8 =	vadd.f32 v8, v2  }
0xd8: {  	v60 =	vmul.f32 $1.442695020e+00, v14;
	(erf) = vrcp.bf16 v58  }
0xd9: {  	v8 =	vmul.f32 $1.442695020e+00, v8  }
0xda: {  	v61 =	vmul.bf16 v59, v57;
	(erf) = vpow2.f32 v60  }
0xdb: {  	v62 =	vmul.bf16 v3, v11;
	(erf) = vpow2.f32 v8  }
0xdc: {  	v13 =	vmul.bf16 v4, v13;
	(erf) = vrcp.bf16 v61  }
0xdd: {  	v25 =	vmul.bf16 v3, v52;
	v9 =	vmul.bf16 v4, v9  }
0xde: {  	v26 =	vmul.bf16 v5, v16;
	v15 =	vmul.bf16 v6, v15  }
0xdf: {  	v63 =	vmul.bf16 v5, v18;
	v27 =	vmul.bf16 v6, v50  }
0xe0: {  	v9 =	vadd.bf16 v25, v9;
	v28 =	vadd.bf16 v26, v15  }
0xe1: {  	v10 =	vadd.bf16 v62, v13;
	v29 =	vpop (erf);
	v8 =	vadd.bf16 v63, v27  }
0xe2: {  	v9 =	vmul.bf16 v56, v9;
	v11 =	vmul.bf16 v28, v54;
	v30 =	vpop (erf)  }
0xe3: {  	v10 =	vmul.bf16 v59, v10;
	v8 =	vmul.bf16 v8, v57;
	v31 =	vpop (erf)  }
0xe4: {  	v9 =	vadd.bf16 v11, v9;
	v32 =	vpop (erf)  }
0xe5: {  	v8 =	vadd.bf16 v8, v10;
	v33 =	vpop (erf)  }
0xe6: {  	v9 =	vmul.bf16 v9, v31;
	v34 =	vpop (erf)  }
0xe7: {  	v8 =	vmul.bf16 v8, v34  }
0xe8: {  	v35 =	vunpack.i.l.bf16.f32 v9;
	v9 =	vunpack.i.u.bf16.f32 v9  }
0xe9: {  	v9 =	vadd.f32 v35, v9;
	v36 =	vunpack.i.u.bf16.f32 v8;
	v8 =	vunpack.i.l.bf16.f32 v8  }
0xea: {  	v8 =	vadd.f32 v8, v36  }
0xeb: {  	v37 =	vadd.f32 $1.000000000e+00, v32;
	v9 =	vadd.f32 v9, v2  }
0xec: {  	v38 =	vadd.f32 $1.000000000e+00, v33;
	v8 =	vadd.f32 v8, v2  }
0xed: {  	(erf) = vrcp.f32 v37;
	v9 =	vmul.f32 $1.442695020e+00, v9  }
0xee: {  	(erf) = vrcp.f32 v38;
	v8 =	vmul.f32 $1.442695020e+00, v8  }
0xef: {  	(erf) = vpow2.f32 v9  }
0xf0: {  	(erf) = vpow2.f32 v8;
	_ =	sdelay $0x5  }
0xf1: {  	v39 =	vpop (erf)  }
0xf2: {  	v40 =	vpop (erf)  }
0xf3: {  	v41 =	vpop (erf)  }
0xf4: {  	v10 =	vadd.f32 $1.000000000e+00, v41;
	v42 =	vpop (erf)  }
0xf5: {  	v11 =	vadd.f32 $1.000000000e+00, v42  }
0xf6: {  	(erf) = vrcp.f32 v10  }
0xf7: {  	(erf) = vrcp.f32 v11;
	_ =	sdelay $0x2  }
0xf8: {  	[tilespmem:s20+$0xFFFFFFF0] =	vst v12  }
0xf9: {  	[tilespmem:s20+$0x0] =	vst v7  }
0xfa: {  	[tilespmem:s21+$0xFFFFFFF0] =	vst v29  }
0xfb: {  	s19 =	sadd.s32 $0x20, s19;
	[tilespmem:s21+$0x0] =	vst v30  }
0xfc: {  	[tilespmem:s19+$0xFFFFFFF0] =	vst v39  }
0xfd: {  	s31 =	sadd.s32 $0x20, s19;
	[tilespmem:s19+$0x0] =	vst v40;
	v43 =	vpop (erf)  }
0xfe: {  	[tilespmem:s31+$0xFFFFFFF0] =	vst v43;
	v44 =	vpop (erf)  }
0xff: {  	[tilespmem:s31+$0x0] =	vst v44  }
0x100: {  	v7 =	vld [tilespmem:$0x15F80]  }
0x101: {  	v8 =	vld [tilespmem:$0x18700];
	_ =	sdelay $0x4  }
0x102: {  	v7 =	vshll.u32 v7, $0x3;
	v8 =	vshll.u32 v8, $0x3  }
0x103: {  	v45 =	vor.u32 $0x4, v8  }
0x104: {  	v46 =	vor.u32 $0x1, v7  }
0x105: {  	v47 =	vor.u32 $0x5, v8  }
0x106: {  	v48 =	vor.u32 $0x2, v7  }
0x107: {  	v49 =	vor.u32 $0x6, v8;
	v13 =	vld.idx.msk [tilespmem:v7+s3+$0x0], $0xffff  }
0x108: {  	v8 =	vor.u32 $0x7, v8;
	v9 =	vld.idx.msk [tilespmem:v45+s3+$0x0], $0xffff  }
0x109: {  	v7 =	vor.u32 $0x3, v7;
	v10 =	vld.idx.msk [tilespmem:v46+s3+$0x0], $0xffff  }
0x10a: {  	v11 =	vld.idx.msk [tilespmem:v47+s3+$0x0], $0xffff  }
0x10b: {  	v12 =	vld.idx.msk [tilespmem:v48+s3+$0x0], $0xffff  }
0x10c: {  	v14 =	vld.idx.msk [tilespmem:v49+s3+$0x0], $0xffff  }
0x10d: {  	v8 =	vld.idx.msk [tilespmem:v8+s3+$0x0], $0xffff;
	v9 =	vadd.bf16 v9, v13  }
0x10e: {  	v7 =	vld.idx.msk [tilespmem:v7+s3+$0x0], $0xffff  }
0x10f: {  	v10 =	vadd.bf16 v11, v10;
	v9 =	vmul.bf16 v0, v9;
	_ =	sdelay $0x1  }
0x110: {  	v51 =	vadd.bf16 v14, v12;
	v50 =	vmul.bf16 v0, v10;
	(erf) = vpow2.bf16 v9;
	_ =	sdelay $0x1  }
0x111: {  	v52 =	vmul.bf16 v0, v51;
	v7 =	vadd.bf16 v8, v7;
	(erf) = vpow2.bf16 v50;
	_ =	sdelay $0x1  }
0x112: {  	v7 =	vmul.bf16 v0, v7;
	(erf) = vpow2.bf16 v52;
	_ =	sdelay $0x1  }
0x113: {  	(erf) = vpow2.bf16 v7;
	_ =	sdelay $0x6  }
0x114: {  	v53 =	vpop (erf)  }
0x115: {  	v54 =	vpop (erf)  }
0x116: {  	v9 =	vpop (erf)  }
0x117: {  	v7 =	vadd.bf16 v1, v53;
	v8 =	vadd.bf16 v1, v54;
	v55 =	vpop (erf)  }
0x118: {  	v9 =	vadd.bf16 v1, v9;
	v10 =	vadd.bf16 v1, v55;
	_ =	sdelay $0x1  }
0x119: {  	v56 =	vmul.bf16 v8, v7;
	v57 =	vmul.bf16 v10, v9;
	_ =	sdelay $0x1  }
0x11a: {  	v58 =	vmul.bf16 v57, v56;
	_ =	sdelay $0x1  }
0x11b: {  	(erf) = vrcp.bf16 v58;
	_ =	sdelay $0x1  }
0x11c: {  	v59 =	vmul.bf16 v4, v7;
	v3 =	vmul.bf16 v3, v8  }
0x11d: {  	v61 =	vmul.bf16 v6, v9;
	v60 =	vmul.bf16 v5, v10;
	_ =	sdelay $0x1  }
0x11e: {  	v3 =	vadd.bf16 v3, v59;
	v62 =	vadd.bf16 v60, v61;
	_ =	sdelay $0x1  }
0x11f: {  	v3 =	vmul.bf16 v57, v3;
	v4 =	vmul.bf16 v62, v56;
	_ =	sdelay $0x1  }
0x120: {  	v3 =	vadd.bf16 v4, v3  }
0x121: {  	v63 =	vpop (erf)  }
0x122: {  	v3 =	vmul.bf16 v3, v63;
	_ =	sdelay $0x1  }
0x123: {  	v4 =	vunpack.i.u.bf16.f32 v3;
	v3 =	vunpack.i.l.bf16.f32 v3  }
0x124: {  	v3 =	vadd.f32 v3, v4;
	_ =	sdelay $0x1  }
0x125: {  	v2 =	vadd.f32 v3, v2;
	_ =	sdelay $0x1  }
0x126: {  	v2 =	vmul.f32 $1.442695020e+00, v2;
	_ =	sdelay $0x1  }
0x127: {  	(erf) = vpow2.f32 v2;
	_ =	sdelay $0x8  }
0x128: {  	v2 =	vpop (erf)  }
0x129: {  	v2 =	vadd.f32 $1.000000000e+00, v2;
	_ =	sdelay $0x1  }
0x12a: {  	(erf) = vrcp.f32 v2;
	_ =	sdelay $0x8  }
0x12b: {  	s18 =	sadd.s32 $0x1, s18;
	v2 =	vpop (erf)  }
0x12c: {  	p1 =	sne.s32 s18, s8;
	[tilespmem:$0x1AE80] =	vst v2  }
.Ltmp1:
0x12d: {  	_ =	strace $0x90000049;
	(pc) =	sbr.rel @p1 .LBB2_1-.Ltmp1, $4  }
0x12e: {  	[hbm4b:s7+s3] =	stream.linear.scatter [tilespmem:s17], [sflag:$0x4], $0x2710, $0x38;
	[tilespmem:$0x1C308] =	vst v63  }
0x12f: {  	_ =	swait.ge [sflag:s13], $0x2710  }
0x130: {  	[sflag:s13] =	ssyncset.done $0x0  }
0x131: {  	[sflag:s13] =	ssyncadd.s32 $0xFFFFD8F0  }
0x132: {  	_ =	sfence.sel $0x180000  }
0x133: {  	[bflag:$0x0] =	sbarrier.arrive $0xFFFF  }
0x134: {  	_ =	strace $0x90000047  }
0x135: {  	s0 =	sadd.s32 @!p0 $0x100000, s1;
	[bflag:$0x2] =	sbarrier.arrive $0xFFFF  }
0x136: {  	[sflag:s0] =	ssyncadd.tile.s32 @!p0 $0x1;
	_ =	shalt  }
.Lfunc_end2:
_tile_overlayer_lowered:
.L_overlay_start_2:
0x137: {  	(tag) =	ssettag $0x2  }
0x138: {  	s0 =	rddreg [dreg:$0x0];
	s2 =	stileid.u32  }
0x139: {  	s1 =	rddreg [dreg:$0x1];
	p0 =	sne.s32 s2, $0x0  }
0x13a: {  	s3 =	rddreg [dreg:$0x2];
	[bflag:$0x3] =	sbarrier.arrive $0xFFFF;
	s2 =	simm.s32 @!p0 $0x1C04  }
0x13b: {  	[timem:s3], [sflag:s2] =	dma.local @!p0 [hbm:s0], s1  }
0x13c: {  	s0 =	simm.s32 @!p0 $0x4  }
0x13d: {  	_ =	swait.ge @!p0 [sflag:s0], s1  }
0x13e: {  	s1 =	ssub.s32 @!p0 $0x0, s1;
	[sflag:s0] =	ssyncset.done @!p0 $0x0  }
0x13f: {  	[sflag:s0] =	ssyncadd.s32 @!p0 s1  }
0x140: {  	[bflag:$0x3] =	sbarrier.arrive $0xFFFF  }
0x141: {  	_ =	shalt  }

</sc_bundles>
